<compile_context>
chip_gen: v7x
topology: tpu7x:2x2x1
jax: 0.10.2.dev20260603
libtpu: 0.0.44.dev20260713+nightly
codegen_flags: <defaults>
</compile_context>

<pallas_src>
import functools

import jax
import jax.numpy as jnp
from jax import lax
from jax.experimental import pallas as pl
from jax.experimental.pallas import tpu as pltpu
from jax.experimental.pallas import tpu_sc as plsc

N = 4096
D = 128
RBLK = 512
K_RANK = N // 10
EPS = 1e-08

NUM_WORKERS = 32
ROWS_W = N // NUM_WORKERS
LANES = 16


def _sel_body(xi_ref, xjt_ref, idx_ref, b2_ref, chi_ref, clo_ref):
    blk = pl.program_id(0)
    xi = xi_ref[...]
    xjt = xjt_ref[...]

    @pl.when(blk == 0)
    def _():
        b2_ref[...] = jnp.sum(xjt * xjt, axis=0, keepdims=True)
        cols1 = lax.broadcasted_iota(jnp.int32, (1, N), 1)
        chi_ref[...] = (cols1 >> 5).astype(jnp.bfloat16)
        clo_ref[...] = (cols1 & 31).astype(jnp.bfloat16)

    a2 = jnp.sum(xi * xi, axis=1, keepdims=True)
    b2 = b2_ref[...]
    prod = lax.dot_general(
        xi, xjt, (((1,), (0,)), ((), ())),
        preferred_element_type=jnp.float32)
    d2 = a2 + b2 - 2.0 * prod
    rows = blk * RBLK + lax.broadcasted_iota(jnp.int32, (RBLK, N), 0)
    cols = lax.broadcasted_iota(jnp.int32, (RBLK, N), 1)
    masked = ((cols - rows) & (N // 2 - 1)) == 0
    v = jnp.where(masked, -1.0, jnp.maximum(d2, 0.0))

    keyb = lax.convert_element_type(v, jnp.bfloat16)

    xmax = keyb
    xmin = jnp.where(keyb == jnp.bfloat16(-1.0), jnp.bfloat16(jnp.inf),
                     keyb)
    w = N
    while w > 128:
        w //= 2
        xmax = jnp.maximum(xmax[:, :w], xmax[:, w:])
        xmin = jnp.minimum(xmin[:, :w], xmin[:, w:])
    vmax = jnp.max(xmax.astype(jnp.float32), axis=1, keepdims=True)
    vmin = jnp.min(xmin.astype(jnp.float32), axis=1, keepdims=True)
    hi16 = (lax.bitcast_convert_type(vmax, jnp.int32) >> 16) + 1
    lo16 = (lax.bitcast_convert_type(vmin, jnp.int32) >> 16) - 1
    kf = jnp.float32(K_RANK)

    def fkey(p):
        return lax.bitcast_convert_type(p << 16, jnp.float32)

    def bs_cond(carry):
        lo, hi = carry[0], carry[1]
        return jnp.any(hi - lo > 1)

    def probe_step(carry):
        lo, hi, flo, fhi, cl, ch = carry
        den = jnp.maximum(cl - ch, 1.0)
        t = (cl - (kf + 0.5)) / den
        fp = flo + (fhi - flo) * t
        p = lax.bitcast_convert_type(fp, jnp.int32) >> 16
        stepw = jnp.maximum((hi - lo) >> 3, 1)
        p = jnp.clip(p, lo + stepw, hi - stepw)
        pb = lax.bitcast_convert_type(p.astype(jnp.int16), jnp.bfloat16)
        x = jnp.where(keyb > pb, jnp.bfloat16(1), jnp.bfloat16(0))
        w = N
        while w > 128:
            w //= 2
            x = x[:, :w] + x[:, w:]
        cnt = jnp.sum(x.astype(jnp.float32), axis=1, keepdims=True)
        pred = cnt <= kf
        pf = fkey(p)
        return (jnp.where(pred, lo, p), jnp.where(pred, p, hi),
                jnp.where(pred, flo, pf), jnp.where(pred, pf, fhi),
                jnp.where(pred, cl, cnt), jnp.where(pred, cnt, ch))

    def bs_body(carry):
        return probe_step(probe_step(carry))

    init = (lo16, hi16, fkey(lo16 + 1), fkey(hi16 - 1),
            jnp.full((RBLK, 1), float(N - 2), jnp.float32),
            jnp.zeros((RBLK, 1), jnp.float32))
    _, kv, _f1, _f2, _c1, _c2 = lax.while_loop(bs_cond, bs_body, init)

    kvb = lax.bitcast_convert_type(kv.astype(jnp.int16), jnp.bfloat16)
    eqb = keyb == kvb
    chi = chi_ref[...]
    clo = clo_ref[...]
    x1 = jnp.where(eqb, jnp.broadcast_to(chi, (RBLK, N)),
                   jnp.bfloat16(N // 32))
    w = N
    while w > 128:
        w //= 2
        x1 = jnp.minimum(x1[:, :w], x1[:, w:])
    g = jnp.min(x1.astype(jnp.float32), axis=1, keepdims=True)
    gb = g.astype(jnp.bfloat16)
    x2 = jnp.where(eqb & (jnp.broadcast_to(chi, (RBLK, N)) == gb),
                   jnp.broadcast_to(clo, (RBLK, N)), jnp.bfloat16(32))
    w = N
    while w > 128:
        w //= 2
        x2 = jnp.minimum(x2[:, :w], x2[:, w:])
    l = jnp.min(x2.astype(jnp.float32), axis=1, keepdims=True)
    idx_ref[...] = (g * 32.0 + l).astype(jnp.int32)


def _select_indices(xi, xjt):
    return pl.pallas_call(
        _sel_body,
        grid=(N // RBLK,),
        in_specs=[
            pl.BlockSpec((RBLK, D), lambda i: (i, 0)),
            pl.BlockSpec((D, N), lambda i: (0, 0)),
        ],
        out_specs=pl.BlockSpec((RBLK, 1), lambda i: (i, 0)),
        out_shape=jax.ShapeDtypeStruct((N, 1), jnp.int32),
        scratch_shapes=[pltpu.VMEM((1, N), jnp.float32),
                        pltpu.VMEM((1, N), jnp.bfloat16),
                        pltpu.VMEM((1, N), jnp.bfloat16)],
    )(xi, xjt)


def _lane_shuffle(x, perm):
    dnums = lax.GatherDimensionNumbers(
        offset_dims=(), collapsed_slice_dims=(0,), start_index_map=(0,))
    return lax.gather(x, perm[:, None], dnums, (1,),
                      mode=lax.GatherScatterMode.PROMISE_IN_BOUNDS)


def _build_sc_gather_loss():
    mesh = plsc.VectorSubcoreMesh(core_axis_name="c", subcore_axis_name="s")
    return functools.partial(
        pl.kernel,
        out_type=jax.ShapeDtypeStruct((NUM_WORKERS, LANES), jnp.float32),
        mesh=mesh,
        scratch_types=[
            pltpu.VMEM((ROWS_W,), jnp.int32),
            pltpu.VMEM((ROWS_W, D), jnp.float32),
            pltpu.VMEM((ROWS_W, D), jnp.float32),
            pltpu.VMEM((LANES,), jnp.float32),
            pltpu.SemaphoreType.DMA,
        ],
    )(_sc_gather_loss_body)


def _sc_gather_loss_body(xi_hbm, xj_hbm, idx_hbm, out_hbm,
                         idx_v, rows_v, xi_v, acc_v, sem):
    wid = lax.axis_index("s") * 2 + lax.axis_index("c")
    base = wid * ROWS_W
    pltpu.sync_copy(idx_hbm.at[pl.ds(base, ROWS_W)], idx_v)
    pltpu.async_copy(xj_hbm.at[idx_v], rows_v, sem).wait()
    pltpu.sync_copy(xi_hbm.at[pl.ds(base, ROWS_W)], xi_v)

    lanes = lax.broadcasted_iota(jnp.int32, (LANES,), 0)

    def group(g, total):
        def row(r16, dvec):
            r = g * LANES + r16
            acc = jnp.zeros((LANES,), jnp.float32)
            for c in range(D // LANES):
                a = xi_v[r, pl.ds(c * LANES, LANES)]
                b = rows_v[r, pl.ds(c * LANES, LANES)]
                t = a - b + EPS
                acc = acc + t * t
            for s in (8, 4, 2, 1):
                acc = acc + _lane_shuffle(acc, lanes ^ s)
            return jnp.where(lanes == r16, acc, dvec)

        dvec = lax.fori_loop(0, LANES, row, jnp.zeros((LANES,), jnp.float32))
        return total + 1.0 / (dvec + 1.0)

    total = lax.fori_loop(0, ROWS_W // LANES, group,
                          jnp.zeros((LANES,), jnp.float32))
    acc_v[...] = total
    pltpu.sync_copy(acc_v, out_hbm.at[wid])


@jax.jit
def kernel(xi, xj):
    idx = _select_indices(xi, xj.T).reshape(N)
    partials = _build_sc_gather_loss()(xi, xj, idx)
    return jnp.sum(partials) / N

# --- scband reference (transcript-rebuilt; emitter-appended) ---
"""Pipeline reference for scband-ko-leo-loss-51290499449142 (READ-ONLY COPY).

The authoritative reference and input builder live on the scoring server;
editing this copy changes nothing except your own understanding.
"""

import jax, jax.numpy as jnp
import numpy as np


def _cdist(a, b):
    a2 = jnp.sum(a * a, axis=1, keepdims=True)
    b2 = jnp.sum(b * b, axis=1, keepdims=True)
    d2 = a2 + b2.T - 2.0 * (a @ b.T)
    return jnp.sqrt(jnp.maximum(d2, 0.0))


def setup_inputs(seed: int = 0) -> dict:
    key = jax.random.key(seed)
    k1, k2 = jax.random.split(key)
    xi = jax.random.normal(k1, (4096, 128), dtype=jnp.float32)
    xj = jax.random.normal(k2, (4096, 128), dtype=jnp.float32)
    return {"xi": xi, "xj": xj}


def reference(xi, xj):
    eps = 1e-08
    n = xi.shape[0]
    # pairwise_NNs_inner (no-grad in original; pure fwd here)
    dots = _cdist(xi, xj)
    self_mask = jnp.eye(n, dtype=bool)
    pos_mask = jnp.roll(self_mask, n // 2, axis=1)
    dots = jnp.where(pos_mask | self_mask, -1.0, dots)
    # argsort descending, take column n//10
    I = jnp.argsort(-dots, axis=1)[:, n // 10]
    # PairwiseDistance(2, eps=1e-8): norm(x1 - x2 + eps), then squared
    diff = xi - xj[I] + eps
    distances = jnp.sum(diff * diff, axis=1)
    loss = 1.0 / (distances + 1.0)
    return jnp.mean(loss)

if __name__ == "__main__":
    import jax
    _d = setup_inputs()
    print(jax.jit(kernel)(*tuple(_d.values())))

</pallas_src>

<mosaic_0001>
#map = affine_map<(d0, d1) -> (0, 0)>
#map1 = affine_map<(d0, d1) -> (0)>
module attributes {stable_mosaic.version = 14 : i64} {
  func.func @_sc_gather_loss_body(%arg0: i32, %arg1: i32, %arg2: memref<4096x128xf32, #tpu.memory_space<hbm>>, %arg3: memref<4096x128xf32, #tpu.memory_space<hbm>>, %arg4: memref<4096xi32, #tpu.memory_space<hbm>>, %arg5: memref<32x16xf32, #tpu.memory_space<hbm>>, %arg6: memref<128xi32, #tpu.memory_space<vmem>>, %arg7: memref<128x128xf32, #tpu.memory_space<vmem>>, %arg8: memref<128x128xf32, #tpu.memory_space<vmem>>, %arg9: memref<16xf32, #tpu.memory_space<vmem>>, %arg10: memref<!tpu.dma_semaphore, #tpu.memory_space<semaphore_mem>>) attributes {dimension_semantics = [#tpu.dimension_semantics<core_parallel>, #tpu.dimension_semantics<subcore_parallel>], iteration_bounds = array<i64: 2, 16>, scalar_prefetch = 0 : i64, scratch_operands = 5 : i64, tpu.core_type = #tpu.core_type<sc_vector_subcore>, window_params = [{transform_indices = #map}, {transform_indices = #map}, {transform_indices = #map1}, {transform_indices = #map}]} {
    %mul3A = arith.constant 2 : i32
    %mul3A_0 = arith.muli %arg1, %mul3A : i32
    %add3A = arith.addi %mul3A_0, %arg0 : i32
    %mul3A_1 = arith.constant 128 : i32
    %mul3A_2 = arith.muli %add3A, %mul3A_1 : i32
    "tpu.region"() ({
      %run_scoped3A = tpu.sem_alloc : memref<!tpu.dma_semaphore, #tpu.memory_space<semaphore_mem>>
      %dma_start3A_16 = tpu.memref_slice %arg4[%mul3A_2] : memref<4096xi32, #tpu.memory_space<hbm>> -> memref<128xi32, #tpu.memory_space<hbm>>
      %dma_start3A_17 = tpu.memref_slice %arg4[%mul3A_2] : memref<4096xi32, #tpu.memory_space<hbm>> -> memref<128xi32, #tpu.memory_space<hbm>>
      tpu.enqueue_dma source(%dma_start3A_17 : memref<128xi32, #tpu.memory_space<hbm>>) target(%arg6 : memref<128xi32, #tpu.memory_space<vmem>>) target_semaphore(%run_scoped3A : memref<!tpu.dma_semaphore, #tpu.memory_space<semaphore_mem>>)
      %dma_wait3A_18 = tpu.memref_slice %arg4[%mul3A_2] : memref<4096xi32, #tpu.memory_space<hbm>> -> memref<128xi32, #tpu.memory_space<hbm>>
      %dma_wait3A_19 = tpu.memref_slice %arg4[%mul3A_2] : memref<4096xi32, #tpu.memory_space<hbm>> -> memref<128xi32, #tpu.memory_space<hbm>>
      tpu.wait_dma2 semaphore(%run_scoped3A : memref<!tpu.dma_semaphore, #tpu.memory_space<semaphore_mem>>) src(%dma_wait3A_19 : memref<128xi32, #tpu.memory_space<hbm>>) dst(%arg6 : memref<128xi32, #tpu.memory_space<vmem>>)
      tpu.yield
    }) : () -> ()
    %dma_start3A = arith.constant 0 : i32
    %dma_start3A_3 = arith.constant 0 : i32
    %dma_start3A_4 = tpu.memref_slice %arg3[%dma_start3A, %dma_start3A_3] : memref<4096x128xf32, #tpu.memory_space<hbm>> -> memref<4096x128xf32, #tpu.memory_space<hbm>>
    tpu.enqueue_indirect_dma source(%dma_start3A_4 : memref<4096x128xf32, #tpu.memory_space<hbm>>) target(%arg7 : memref<128x128xf32, #tpu.memory_space<vmem>>) offsets(%arg6 : memref<128xi32, #tpu.memory_space<vmem>>) semaphore(%arg10 : memref<!tpu.dma_semaphore, #tpu.memory_space<semaphore_mem>>)
    %dma_wait3A = arith.constant 0 : i32
    %dma_wait3A_5 = arith.constant 0 : i32
    %dma_wait3A_6 = tpu.memref_slice %arg3[%dma_wait3A, %dma_wait3A_5] : memref<4096x128xf32, #tpu.memory_space<hbm>> -> memref<4096x128xf32, #tpu.memory_space<hbm>>
    tpu.wait_indirect_dma semaphore(%arg10 : memref<!tpu.dma_semaphore, #tpu.memory_space<semaphore_mem>>) src(%dma_wait3A_6 : memref<4096x128xf32, #tpu.memory_space<hbm>>) dst(%arg7 : memref<128x128xf32, #tpu.memory_space<vmem>>)
    "tpu.region"() ({
      %run_scoped3A = tpu.sem_alloc : memref<!tpu.dma_semaphore, #tpu.memory_space<semaphore_mem>>
      %dma_start3A_16 = arith.constant 0 : i32
      %dma_start3A_17 = tpu.memref_slice %arg2[%mul3A_2, %dma_start3A_16] : memref<4096x128xf32, #tpu.memory_space<hbm>> -> memref<128x128xf32, #tpu.memory_space<hbm>>
      %dma_start3A_18 = arith.constant 0 : i32
      %dma_start3A_19 = tpu.memref_slice %arg2[%mul3A_2, %dma_start3A_18] : memref<4096x128xf32, #tpu.memory_space<hbm>> -> memref<128x128xf32, #tpu.memory_space<hbm>>
      tpu.enqueue_dma source(%dma_start3A_19 : memref<128x128xf32, #tpu.memory_space<hbm>>) target(%arg8 : memref<128x128xf32, #tpu.memory_space<vmem>>) target_semaphore(%run_scoped3A : memref<!tpu.dma_semaphore, #tpu.memory_space<semaphore_mem>>)
      %dma_wait3A_20 = arith.constant 0 : i32
      %dma_wait3A_21 = tpu.memref_slice %arg2[%mul3A_2, %dma_wait3A_20] : memref<4096x128xf32, #tpu.memory_space<hbm>> -> memref<128x128xf32, #tpu.memory_space<hbm>>
      %dma_wait3A_22 = arith.constant 0 : i32
      %dma_wait3A_23 = tpu.memref_slice %arg2[%mul3A_2, %dma_wait3A_22] : memref<4096x128xf32, #tpu.memory_space<hbm>> -> memref<128x128xf32, #tpu.memory_space<hbm>>
      tpu.wait_dma2 semaphore(%run_scoped3A : memref<!tpu.dma_semaphore, #tpu.memory_space<semaphore_mem>>) src(%dma_wait3A_23 : memref<128x128xf32, #tpu.memory_space<hbm>>) dst(%arg8 : memref<128x128xf32, #tpu.memory_space<vmem>>)
      tpu.yield
    }) : () -> ()
    %iota3A = tpu.iota {dimensions = array<i32: 0>} : vector<16xi32>
    %broadcast_in_dim3A = arith.constant 0.000000e+00 : f32
    %broadcast_in_dim3A_7 = vector.broadcast %broadcast_in_dim3A : f32 to vector<16xf32>
    %scan3A = arith.constant 0 : i32
    %scan3A_8 = arith.constant 8 : i32
    %scan3A_9 = arith.addi %scan3A, %scan3A_8 : i32
    %scan3A_10 = arith.constant 1 : i32
    %scan3A_11 = scf.for %scan3A_16 = %scan3A to %scan3A_9 step %scan3A_10 iter_args(%scan3A_17 = %broadcast_in_dim3A_7) -> (vector<16xf32>)  : i32 {
      %broadcast_in_dim3A_18 = arith.constant 0.000000e+00 : f32
      %broadcast_in_dim3A_19 = vector.broadcast %broadcast_in_dim3A_18 : f32 to vector<16xf32>
      %scan3A_20 = arith.constant 0 : i32
      %scan3A_21 = arith.constant 16 : i32
      %scan3A_22 = arith.addi %scan3A_20, %scan3A_21 : i32
      %scan3A_23 = arith.constant 1 : i32
      %scan3A_24 = scf.for %scan3A_32 = %scan3A_20 to %scan3A_22 step %scan3A_23 iter_args(%scan3A_33 = %broadcast_in_dim3A_19) -> (vector<16xf32>)  : i32 {
        %mul3A_34 = arith.constant 16 : i32
        %mul3A_35 = arith.muli %scan3A_16, %mul3A_34 : i32
        %add3A_36 = arith.addi %mul3A_35, %scan3A_32 : i32
        %broadcast_in_dim3A_37 = arith.constant 0.000000e+00 : f32
        %broadcast_in_dim3A_38 = vector.broadcast %broadcast_in_dim3A_37 : f32 to vector<16xf32>
        %get3A = arith.index_cast %add3A_36 : i32 to index
        %get3A_39 = arith.constant 0 : index
        %get3A_40 = tpu.vector_load %arg8[%get3A, %get3A_39] {strides = array<i32>} : memref<128x128xf32, #tpu.memory_space<vmem>>, vector<1x16xf32>,
        %get3A_41 = vector.shape_cast %get3A_40 : vector<1x16xf32> to vector<16xf32>
        %get3A_42 = arith.index_cast %add3A_36 : i32 to index
        %get3A_43 = arith.constant 0 : index
        %get3A_44 = tpu.vector_load %arg7[%get3A_42, %get3A_43] {strides = array<i32>} : memref<128x128xf32, #tpu.memory_space<vmem>>, vector<1x16xf32>,
        %get3A_45 = vector.shape_cast %get3A_44 : vector<1x16xf32> to vector<16xf32>
        %sub3A = arith.subf %get3A_41, %get3A_45 : vector<16xf32>
        %add3A_46 = arith.constant 9.99999993E-9 : f32
        %add3A_47 = vector.broadcast %add3A_46 : f32 to vector<16xf32>
        %add3A_48 = arith.addf %sub3A, %add3A_47 : vector<16xf32>
        %mul3A_49 = arith.mulf %add3A_48, %add3A_48 : vector<16xf32>
        %add3A_50 = arith.addf %broadcast_in_dim3A_38, %mul3A_49 : vector<16xf32>
        %get3A_51 = arith.index_cast %add3A_36 : i32 to index
        %get3A_52 = arith.constant 16 : index
        %get3A_53 = tpu.vector_load %arg8[%get3A_51, %get3A_52] {strides = array<i32>} : memref<128x128xf32, #tpu.memory_space<vmem>>, vector<1x16xf32>,
        %get3A_54 = vector.shape_cast %get3A_53 : vector<1x16xf32> to vector<16xf32>
        %get3A_55 = arith.index_cast %add3A_36 : i32 to index
        %get3A_56 = arith.constant 16 : index
        %get3A_57 = tpu.vector_load %arg7[%get3A_55, %get3A_56] {strides = array<i32>} : memref<128x128xf32, #tpu.memory_space<vmem>>, vector<1x16xf32>,
        %get3A_58 = vector.shape_cast %get3A_57 : vector<1x16xf32> to vector<16xf32>
        %sub3A_59 = arith.subf %get3A_54, %get3A_58 : vector<16xf32>
        %add3A_60 = arith.constant 9.99999993E-9 : f32
        %add3A_61 = vector.broadcast %add3A_60 : f32 to vector<16xf32>
        %add3A_62 = arith.addf %sub3A_59, %add3A_61 : vector<16xf32>
        %mul3A_63 = arith.mulf %add3A_62, %add3A_62 : vector<16xf32>
        %add3A_64 = arith.addf %add3A_50, %mul3A_63 : vector<16xf32>
        %get3A_65 = arith.index_cast %add3A_36 : i32 to index
        %get3A_66 = arith.constant 32 : index
        %get3A_67 = tpu.vector_load %arg8[%get3A_65, %get3A_66] {strides = array<i32>} : memref<128x128xf32, #tpu.memory_space<vmem>>, vector<1x16xf32>,
        %get3A_68 = vector.shape_cast %get3A_67 : vector<1x16xf32> to vector<16xf32>
        %get3A_69 = arith.index_cast %add3A_36 : i32 to index
        %get3A_70 = arith.constant 32 : index
        %get3A_71 = tpu.vector_load %arg7[%get3A_69, %get3A_70] {strides = array<i32>} : memref<128x128xf32, #tpu.memory_space<vmem>>, vector<1x16xf32>,
        %get3A_72 = vector.shape_cast %get3A_71 : vector<1x16xf32> to vector<16xf32>
        %sub3A_73 = arith.subf %get3A_68, %get3A_72 : vector<16xf32>
        %add3A_74 = arith.constant 9.99999993E-9 : f32
        %add3A_75 = vector.broadcast %add3A_74 : f32 to vector<16xf32>
        %add3A_76 = arith.addf %sub3A_73, %add3A_75 : vector<16xf32>
        %mul3A_77 = arith.mulf %add3A_76, %add3A_76 : vector<16xf32>
        %add3A_78 = arith.addf %add3A_64, %mul3A_77 : vector<16xf32>
        %get3A_79 = arith.index_cast %add3A_36 : i32 to index
        %get3A_80 = arith.constant 48 : index
        %get3A_81 = tpu.vector_load %arg8[%get3A_79, %get3A_80] {strides = array<i32>} : memref<128x128xf32, #tpu.memory_space<vmem>>, vector<1x16xf32>,
        %get3A_82 = vector.shape_cast %get3A_81 : vector<1x16xf32> to vector<16xf32>
        %get3A_83 = arith.index_cast %add3A_36 : i32 to index
        %get3A_84 = arith.constant 48 : index
        %get3A_85 = tpu.vector_load %arg7[%get3A_83, %get3A_84] {strides = array<i32>} : memref<128x128xf32, #tpu.memory_space<vmem>>, vector<1x16xf32>,
        %get3A_86 = vector.shape_cast %get3A_85 : vector<1x16xf32> to vector<16xf32>
        %sub3A_87 = arith.subf %get3A_82, %get3A_86 : vector<16xf32>
        %add3A_88 = arith.constant 9.99999993E-9 : f32
        %add3A_89 = vector.broadcast %add3A_88 : f32 to vector<16xf32>
        %add3A_90 = arith.addf %sub3A_87, %add3A_89 : vector<16xf32>
        %mul3A_91 = arith.mulf %add3A_90, %add3A_90 : vector<16xf32>
        %add3A_92 = arith.addf %add3A_78, %mul3A_91 : vector<16xf32>
        %get3A_93 = arith.index_cast %add3A_36 : i32 to index
        %get3A_94 = arith.constant 64 : index
        %get3A_95 = tpu.vector_load %arg8[%get3A_93, %get3A_94] {strides = array<i32>} : memref<128x128xf32, #tpu.memory_space<vmem>>, vector<1x16xf32>,
        %get3A_96 = vector.shape_cast %get3A_95 : vector<1x16xf32> to vector<16xf32>
        %get3A_97 = arith.index_cast %add3A_36 : i32 to index
        %get3A_98 = arith.constant 64 : index
        %get3A_99 = tpu.vector_load %arg7[%get3A_97, %get3A_98] {strides = array<i32>} : memref<128x128xf32, #tpu.memory_space<vmem>>, vector<1x16xf32>,
        %get3A_100 = vector.shape_cast %get3A_99 : vector<1x16xf32> to vector<16xf32>
        %sub3A_101 = arith.subf %get3A_96, %get3A_100 : vector<16xf32>
        %add3A_102 = arith.constant 9.99999993E-9 : f32
        %add3A_103 = vector.broadcast %add3A_102 : f32 to vector<16xf32>
        %add3A_104 = arith.addf %sub3A_101, %add3A_103 : vector<16xf32>
        %mul3A_105 = arith.mulf %add3A_104, %add3A_104 : vector<16xf32>
        %add3A_106 = arith.addf %add3A_92, %mul3A_105 : vector<16xf32>
        %get3A_107 = arith.index_cast %add3A_36 : i32 to index
        %get3A_108 = arith.constant 80 : index
        %get3A_109 = tpu.vector_load %arg8[%get3A_107, %get3A_108] {strides = array<i32>} : memref<128x128xf32, #tpu.memory_space<vmem>>, vector<1x16xf32>,
        %get3A_110 = vector.shape_cast %get3A_109 : vector<1x16xf32> to vector<16xf32>
        %get3A_111 = arith.index_cast %add3A_36 : i32 to index
        %get3A_112 = arith.constant 80 : index
        %get3A_113 = tpu.vector_load %arg7[%get3A_111, %get3A_112] {strides = array<i32>} : memref<128x128xf32, #tpu.memory_space<vmem>>, vector<1x16xf32>,
        %get3A_114 = vector.shape_cast %get3A_113 : vector<1x16xf32> to vector<16xf32>
        %sub3A_115 = arith.subf %get3A_110, %get3A_114 : vector<16xf32>
        %add3A_116 = arith.constant 9.99999993E-9 : f32
        %add3A_117 = vector.broadcast %add3A_116 : f32 to vector<16xf32>
        %add3A_118 = arith.addf %sub3A_115, %add3A_117 : vector<16xf32>
        %mul3A_119 = arith.mulf %add3A_118, %add3A_118 : vector<16xf32>
        %add3A_120 = arith.addf %add3A_106, %mul3A_119 : vector<16xf32>
        %get3A_121 = arith.index_cast %add3A_36 : i32 to index
        %get3A_122 = arith.constant 96 : index
        %get3A_123 = tpu.vector_load %arg8[%get3A_121, %get3A_122] {strides = array<i32>} : memref<128x128xf32, #tpu.memory_space<vmem>>, vector<1x16xf32>,
        %get3A_124 = vector.shape_cast %get3A_123 : vector<1x16xf32> to vector<16xf32>
        %get3A_125 = arith.index_cast %add3A_36 : i32 to index
        %get3A_126 = arith.constant 96 : index
        %get3A_127 = tpu.vector_load %arg7[%get3A_125, %get3A_126] {strides = array<i32>} : memref<128x128xf32, #tpu.memory_space<vmem>>, vector<1x16xf32>,
        %get3A_128 = vector.shape_cast %get3A_127 : vector<1x16xf32> to vector<16xf32>
        %sub3A_129 = arith.subf %get3A_124, %get3A_128 : vector<16xf32>
        %add3A_130 = arith.constant 9.99999993E-9 : f32
        %add3A_131 = vector.broadcast %add3A_130 : f32 to vector<16xf32>
        %add3A_132 = arith.addf %sub3A_129, %add3A_131 : vector<16xf32>
        %mul3A_133 = arith.mulf %add3A_132, %add3A_132 : vector<16xf32>
        %add3A_134 = arith.addf %add3A_120, %mul3A_133 : vector<16xf32>
        %get3A_135 = arith.index_cast %add3A_36 : i32 to index
        %get3A_136 = arith.constant 112 : index
        %get3A_137 = tpu.vector_load %arg8[%get3A_135, %get3A_136] {strides = array<i32>} : memref<128x128xf32, #tpu.memory_space<vmem>>, vector<1x16xf32>,
        %get3A_138 = vector.shape_cast %get3A_137 : vector<1x16xf32> to vector<16xf32>
        %get3A_139 = arith.index_cast %add3A_36 : i32 to index
        %get3A_140 = arith.constant 112 : index
        %get3A_141 = tpu.vector_load %arg7[%get3A_139, %get3A_140] {strides = array<i32>} : memref<128x128xf32, #tpu.memory_space<vmem>>, vector<1x16xf32>,
        %get3A_142 = vector.shape_cast %get3A_141 : vector<1x16xf32> to vector<16xf32>
        %sub3A_143 = arith.subf %get3A_138, %get3A_142 : vector<16xf32>
        %add3A_144 = arith.constant 9.99999993E-9 : f32
        %add3A_145 = vector.broadcast %add3A_144 : f32 to vector<16xf32>
        %add3A_146 = arith.addf %sub3A_143, %add3A_145 : vector<16xf32>
        %mul3A_147 = arith.mulf %add3A_146, %add3A_146 : vector<16xf32>
        %add3A_148 = arith.addf %add3A_134, %mul3A_147 : vector<16xf32>
        %xor3A = arith.constant 8 : i32
        %xor3A_149 = vector.broadcast %xor3A : i32 to vector<16xi32>
        %xor3A_150 = arith.xori %iota3A, %xor3A_149 : vector<16xi32>
        %broadcast_in_dim3A_151 = vector.shape_cast %xor3A_150 : vector<16xi32> to vector<16x1xi32>
        %gather3A = vector.shape_cast %broadcast_in_dim3A_151 : vector<16x1xi32> to vector<16xi32>
        %gather3A_152 = tpu.dynamic_gather %add3A_148[%gather3A] in [0] : vector<16xf32>, vector<16xi32> -> vector<16xf32>
        %add3A_153 = arith.addf %add3A_148, %gather3A_152 : vector<16xf32>
        %xor3A_154 = arith.constant 4 : i32
        %xor3A_155 = vector.broadcast %xor3A_154 : i32 to vector<16xi32>
        %xor3A_156 = arith.xori %iota3A, %xor3A_155 : vector<16xi32>
        %broadcast_in_dim3A_157 = vector.shape_cast %xor3A_156 : vector<16xi32> to vector<16x1xi32>
        %gather3A_158 = vector.shape_cast %broadcast_in_dim3A_157 : vector<16x1xi32> to vector<16xi32>
        %gather3A_159 = tpu.dynamic_gather %add3A_153[%gather3A_158] in [0] : vector<16xf32>, vector<16xi32> -> vector<16xf32>
        %add3A_160 = arith.addf %add3A_153, %gather3A_159 : vector<16xf32>
        %xor3A_161 = arith.constant 2 : i32
        %xor3A_162 = vector.broadcast %xor3A_161 : i32 to vector<16xi32>
        %xor3A_163 = arith.xori %iota3A, %xor3A_162 : vector<16xi32>
        %broadcast_in_dim3A_164 = vector.shape_cast %xor3A_163 : vector<16xi32> to vector<16x1xi32>
        %gather3A_165 = vector.shape_cast %broadcast_in_dim3A_164 : vector<16x1xi32> to vector<16xi32>
        %gather3A_166 = tpu.dynamic_gather %add3A_160[%gather3A_165] in [0] : vector<16xf32>, vector<16xi32> -> vector<16xf32>
        %add3A_167 = arith.addf %add3A_160, %gather3A_166 : vector<16xf32>
        %xor3A_168 = arith.constant 1 : i32
        %xor3A_169 = vector.broadcast %xor3A_168 : i32 to vector<16xi32>
        %xor3A_170 = arith.xori %iota3A, %xor3A_169 : vector<16xi32>
        %broadcast_in_dim3A_171 = vector.shape_cast %xor3A_170 : vector<16xi32> to vector<16x1xi32>
        %gather3A_172 = vector.shape_cast %broadcast_in_dim3A_171 : vector<16x1xi32> to vector<16xi32>
        %gather3A_173 = tpu.dynamic_gather %add3A_167[%gather3A_172] in [0] : vector<16xf32>, vector<16xi32> -> vector<16xf32>
        %add3A_174 = arith.addf %add3A_167, %gather3A_173 : vector<16xf32>
        %eq3A = vector.broadcast %scan3A_32 : i32 to vector<16xi32>
        %eq3A_175 = arith.cmpi eq, %iota3A, %eq3A : vector<16xi32>
        %select_n3A = arith.select %eq3A_175, %add3A_174, %scan3A_33 : vector<16xi1>, vector<16xf32>
        scf.yield %select_n3A : vector<16xf32>
      }
      %scan3A_25 = arith.constant 16 : i32
      %add3A_26 = arith.constant 1.000000e+00 : f32
      %add3A_27 = vector.broadcast %add3A_26 : f32 to vector<16xf32>
      %add3A_28 = arith.addf %scan3A_24, %add3A_27 : vector<16xf32>
      %div3A = arith.constant 1.000000e+00 : f32
      %div3A_29 = vector.broadcast %div3A : f32 to vector<16xf32>
      %div3A_30 = arith.divf %div3A_29, %add3A_28 : vector<16xf32>
      %add3A_31 = arith.addf %scan3A_17, %div3A_30 : vector<16xf32>
      scf.yield %add3A_31 : vector<16xf32>
    }
    %scan3A_12 = arith.constant 8 : i32
    %swap3A = arith.constant 0 : index
    %swap3A_13 = tpu.vector_load %arg9[%swap3A] {strides = array<i32>} : memref<16xf32, #tpu.memory_space<vmem>>, vector<16xf32>,
    %swap3A_14 = vector.shape_cast %swap3A_13 : vector<16xf32> to vector<16xf32>
    %swap3A_15 = vector.shape_cast %scan3A_11 : vector<16xf32> to vector<16xf32>
    tpu.vector_store %arg9[%swap3A], %swap3A_15 {strides = array<i32>} : memref<16xf32, #tpu.memory_space<vmem>>, vector<16xf32>,
    "tpu.region"() ({
      %run_scoped3A = tpu.sem_alloc : memref<!tpu.dma_semaphore, #tpu.memory_space<semaphore_mem>>
      %dma_start3A_16 = arith.constant 0 : i32
      %dma_start3A_17 = tpu.memref_slice %arg5[%add3A, %dma_start3A_16] : memref<32x16xf32, #tpu.memory_space<hbm>> -> memref<1x16xf32, #tpu.memory_space<hbm>>
      %dma_start3A_18 = tpu.memref_squeeze %dma_start3A_17 : memref<1x16xf32, #tpu.memory_space<hbm>> -> memref<16xf32, #tpu.memory_space<hbm>>
      %dma_start3A_19 = arith.constant 0 : i32
      %dma_start3A_20 = tpu.memref_slice %arg5[%add3A, %dma_start3A_19] : memref<32x16xf32, #tpu.memory_space<hbm>> -> memref<1x16xf32, #tpu.memory_space<hbm>>
      %dma_start3A_21 = tpu.memref_squeeze %dma_start3A_20 : memref<1x16xf32, #tpu.memory_space<hbm>> -> memref<16xf32, #tpu.memory_space<hbm>>
      tpu.enqueue_dma source(%arg9 : memref<16xf32, #tpu.memory_space<vmem>>) target(%dma_start3A_21 : memref<16xf32, #tpu.memory_space<hbm>>) target_semaphore(%run_scoped3A : memref<!tpu.dma_semaphore, #tpu.memory_space<semaphore_mem>>)
      %dma_wait3A_22 = arith.constant 0 : i32
      %dma_wait3A_23 = tpu.memref_slice %arg5[%add3A, %dma_wait3A_22] : memref<32x16xf32, #tpu.memory_space<hbm>> -> memref<1x16xf32, #tpu.memory_space<hbm>>
      %dma_wait3A_24 = tpu.memref_squeeze %dma_wait3A_23 : memref<1x16xf32, #tpu.memory_space<hbm>> -> memref<16xf32, #tpu.memory_space<hbm>>
      %dma_wait3A_25 = arith.constant 0 : i32
      %dma_wait3A_26 = tpu.memref_slice %arg5[%add3A, %dma_wait3A_25] : memref<32x16xf32, #tpu.memory_space<hbm>> -> memref<1x16xf32, #tpu.memory_space<hbm>>
      %dma_wait3A_27 = tpu.memref_squeeze %dma_wait3A_26 : memref<1x16xf32, #tpu.memory_space<hbm>> -> memref<16xf32, #tpu.memory_space<hbm>>
      tpu.wait_dma2 semaphore(%run_scoped3A : memref<!tpu.dma_semaphore, #tpu.memory_space<semaphore_mem>>) src(%arg9 : memref<16xf32, #tpu.memory_space<vmem>>) dst(%dma_wait3A_27 : memref<16xf32, #tpu.memory_space<hbm>>)
      tpu.yield
    }) : () -> ()
    return
  }
}

module attributes {stable_mosaic.version = 14 : i64} {
  func.func @_sel_body(%arg0: i32, %arg1: memref<512x128xf32, #tpu.memory_space<vmem>>, %arg2: memref<128x4096xf32, #tpu.memory_space<vmem>>, %arg3: memref<512x1xi32, #tpu.memory_space<vmem>>, %arg4: memref<1x4096xf32, #tpu.memory_space<vmem>>, %arg5: memref<1x4096xbf16, #tpu.memory_space<vmem>>, %arg6: memref<1x4096xbf16, #tpu.memory_space<vmem>>) attributes {dimension_semantics = [#tpu.dimension_semantics<arbitrary>], iteration_bounds = array<i64: 8>, scalar_prefetch = 0 : i64, scratch_operands = 3 : i64, tpu.core_type = #tpu.core_type<tc>, window_params = [{transform_indices = @transform_0, window_bounds = array<i64: 512, 128>}, {pipeline_mode = #tpu.pipeline_mode<synchronous>, transform_indices = @transform_1, window_bounds = array<i64: 128, 4096>}, {transform_indices = @transform_2, window_bounds = array<i64: 512, 1>}]} {
    %get3A = arith.constant 0 : index
    %get3A_0 = arith.constant 0 : index
    %get3A_1 = vector.load %arg1[%get3A, %get3A_0] : memref<512x128xf32, #tpu.memory_space<vmem>>, vector<512x128xf32>
    %get3A_2 = arith.constant 0 : index
    %get3A_3 = arith.constant 0 : index
    %get3A_4 = vector.load %arg2[%get3A_2, %get3A_3] : memref<128x4096xf32, #tpu.memory_space<vmem>>, vector<128x4096xf32>
    %eq3A = arith.constant 0 : i32
    %eq3A_5 = arith.cmpi eq, %arg0, %eq3A : i32
    %convert_element_type3A = arith.extui %eq3A_5 : i1 to i32
    %cond3A = arith.constant 0 : i32
    %cond3A_6 = arith.cmpi ne, %convert_element_type3A, %cond3A : i32
    scf.if %cond3A_6 {
      %mul3A_173 = arith.mulf %get3A_4, %get3A_4 : vector<128x4096xf32>
      %reduce_sum3A_174 = arith.constant dense<0.000000e+00> : vector<4096xf32>
      %reduce_sum3A_175 = vector.multi_reduction <add>, %mul3A_173, %reduce_sum3A_174 [0] : vector<128x4096xf32> to vector<4096xf32>
      %broadcast_in_dim3A_176 = vector.shape_cast %reduce_sum3A_175 : vector<4096xf32> to vector<1x4096xf32>
      %swap3A_177 = arith.constant 0 : index
      %swap3A_178 = arith.constant 0 : index
      %swap3A_179 = vector.load %arg4[%swap3A_177, %swap3A_178] : memref<1x4096xf32, #tpu.memory_space<vmem>>, vector<1x4096xf32>
      tpu.vector_store %arg4[%swap3A_177, %swap3A_178], %broadcast_in_dim3A_176 {strides = array<i32>} : memref<1x4096xf32, #tpu.memory_space<vmem>>, vector<1x4096xf32>,
      %iota3A_180 = tpu.iota {dimensions = array<i32: 1>} : vector<1x4096xi32>
      %shift_right_arithmetic3A_181 = arith.constant 5 : i32
      %shift_right_arithmetic3A_182 = vector.broadcast %shift_right_arithmetic3A_181 : i32 to vector<1x4096xi32>
      %shift_right_arithmetic3A_183 = arith.shrsi %iota3A_180, %shift_right_arithmetic3A_182 : vector<1x4096xi32>
      %convert_element_type3A_184 = arith.sitofp %shift_right_arithmetic3A_183 : vector<1x4096xi32> to vector<1x4096xbf16>
      %swap3A_185 = arith.constant 0 : index
      %swap3A_186 = arith.constant 0 : index
      %swap3A_187 = vector.load %arg5[%swap3A_185, %swap3A_186] : memref<1x4096xbf16, #tpu.memory_space<vmem>>, vector<1x4096xbf16>
      tpu.vector_store %arg5[%swap3A_185, %swap3A_186], %convert_element_type3A_184 {strides = array<i32>} : memref<1x4096xbf16, #tpu.memory_space<vmem>>, vector<1x4096xbf16>,
      %and3A_188 = arith.constant 31 : i32
      %and3A_189 = vector.broadcast %and3A_188 : i32 to vector<1x4096xi32>
      %and3A_190 = arith.andi %iota3A_180, %and3A_189 : vector<1x4096xi32>
      %convert_element_type3A_191 = arith.sitofp %and3A_190 : vector<1x4096xi32> to vector<1x4096xbf16>
      %swap3A_192 = arith.constant 0 : index
      %swap3A_193 = arith.constant 0 : index
      %swap3A_194 = vector.load %arg6[%swap3A_192, %swap3A_193] : memref<1x4096xbf16, #tpu.memory_space<vmem>>, vector<1x4096xbf16>
      tpu.vector_store %arg6[%swap3A_192, %swap3A_193], %convert_element_type3A_191 {strides = array<i32>} : memref<1x4096xbf16, #tpu.memory_space<vmem>>, vector<1x4096xbf16>,
    } else {
    }
    %mul3A = arith.mulf %get3A_1, %get3A_1 : vector<512x128xf32>
    %reduce_sum3A = arith.constant dense<0.000000e+00> : vector<512xf32>
    %reduce_sum3A_7 = vector.multi_reduction <add>, %mul3A, %reduce_sum3A [1] : vector<512x128xf32> to vector<512xf32>
    %broadcast_in_dim3A = vector.shape_cast %reduce_sum3A_7 : vector<512xf32> to vector<512x1xf32>
    %get3A_8 = arith.constant 0 : index
    %get3A_9 = arith.constant 0 : index
    %get3A_10 = vector.load %arg4[%get3A_8, %get3A_9] : memref<1x4096xf32, #tpu.memory_space<vmem>>, vector<1x4096xf32>
    %dot_general3A = arith.constant dense<0.000000e+00> : vector<512x4096xf32>
    %dot_general3A_11 = tpu.matmul %get3A_1, %get3A_4, %dot_general3A {dimension_numbers = #tpu.dot_dimension_numbers<[1], [0], [0], [1], [0, 0, 1, 1], [], []>, transpose_lhs_hint = false} : vector<512x128xf32>, vector<128x4096xf32>, vector<512x4096xf32> -> vector<512x4096xf32>
    %add3A = vector.broadcast %broadcast_in_dim3A : vector<512x1xf32> to vector<512x4096xf32>
    %add3A_12 = vector.broadcast %get3A_10 : vector<1x4096xf32> to vector<512x4096xf32>
    %add3A_13 = arith.addf %add3A, %add3A_12 : vector<512x4096xf32>
    %mul3A_14 = arith.constant 2.000000e+00 : f32
    %mul3A_15 = vector.broadcast %mul3A_14 : f32 to vector<512x4096xf32>
    %mul3A_16 = arith.mulf %mul3A_15, %dot_general3A_11 : vector<512x4096xf32>
    %sub3A = arith.subf %add3A_13, %mul3A_16 : vector<512x4096xf32>
    %mul3A_17 = arith.constant 512 : i32
    %mul3A_18 = arith.muli %arg0, %mul3A_17 : i32
    %iota3A = tpu.iota {dimensions = array<i32: 0>} : vector<512x4096xi32>
    %add3A_19 = vector.broadcast %mul3A_18 : i32 to vector<512x4096xi32>
    %add3A_20 = arith.addi %add3A_19, %iota3A : vector<512x4096xi32>
    %iota3A_21 = tpu.iota {dimensions = array<i32: 1>} : vector<512x4096xi32>
    %sub3A_22 = arith.subi %iota3A_21, %add3A_20 : vector<512x4096xi32>
    %and3A = arith.constant 2047 : i32
    %and3A_23 = vector.broadcast %and3A : i32 to vector<512x4096xi32>
    %and3A_24 = arith.andi %sub3A_22, %and3A_23 : vector<512x4096xi32>
    %eq3A_25 = arith.constant 0 : i32
    %eq3A_26 = vector.broadcast %eq3A_25 : i32 to vector<512x4096xi32>
    %eq3A_27 = arith.cmpi eq, %and3A_24, %eq3A_26 : vector<512x4096xi32>
    %max3A = arith.constant 0.000000e+00 : f32
    %max3A_28 = vector.broadcast %max3A : f32 to vector<512x4096xf32>
    %max3A_29 = arith.maximumf %sub3A, %max3A_28 : vector<512x4096xf32>
    %jit3A = arith.constant -1.000000e+00 : f32
    %broadcast_in_dim3A_30 = vector.broadcast %jit3A : f32 to vector<512x4096xf32>
    %select_n3A = arith.select %eq3A_27, %broadcast_in_dim3A_30, %max3A_29 : vector<512x4096xi1>, vector<512x4096xf32>
    %convert_element_type3A_31 = arith.truncf %select_n3A : vector<512x4096xf32> to vector<512x4096xbf16>
    %eq3A_32 = arith.constant -1.000000e+00 : bf16
    %eq3A_33 = vector.broadcast %eq3A_32 : bf16 to vector<512x4096xbf16>
    %eq3A_34 = arith.cmpf oeq, %convert_element_type3A_31, %eq3A_33 : vector<512x4096xbf16>
    %jit3A_35 = arith.constant 0x7F80 : bf16
    %broadcast_in_dim3A_36 = vector.broadcast %jit3A_35 : bf16 to vector<512x4096xbf16>
    %select_n3A_37 = arith.select %eq3A_34, %broadcast_in_dim3A_36, %convert_element_type3A_31 : vector<512x4096xi1>, vector<512x4096xbf16>
    %slice3A = vector.extract_strided_slice %convert_element_type3A_31 {offsets = [0, 0], sizes = [512, 2048], strides = [1, 1]} : vector<512x4096xbf16> to vector<512x2048xbf16>
    %slice3A_38 = vector.extract_strided_slice %convert_element_type3A_31 {offsets = [0, 2048], sizes = [512, 2048], strides = [1, 1]} : vector<512x4096xbf16> to vector<512x2048xbf16>
    %max3A_39 = arith.maximumf %slice3A, %slice3A_38 : vector<512x2048xbf16>
    %slice3A_40 = vector.extract_strided_slice %select_n3A_37 {offsets = [0, 0], sizes = [512, 2048], strides = [1, 1]} : vector<512x4096xbf16> to vector<512x2048xbf16>
    %slice3A_41 = vector.extract_strided_slice %select_n3A_37 {offsets = [0, 2048], sizes = [512, 2048], strides = [1, 1]} : vector<512x4096xbf16> to vector<512x2048xbf16>
    %min3A = arith.minimumf %slice3A_40, %slice3A_41 : vector<512x2048xbf16>
    %slice3A_42 = vector.extract_strided_slice %max3A_39 {offsets = [0, 0], sizes = [512, 1024], strides = [1, 1]} : vector<512x2048xbf16> to vector<512x1024xbf16>
    %slice3A_43 = vector.extract_strided_slice %max3A_39 {offsets = [0, 1024], sizes = [512, 1024], strides = [1, 1]} : vector<512x2048xbf16> to vector<512x1024xbf16>
    %max3A_44 = arith.maximumf %slice3A_42, %slice3A_43 : vector<512x1024xbf16>
    %slice3A_45 = vector.extract_strided_slice %min3A {offsets = [0, 0], sizes = [512, 1024], strides = [1, 1]} : vector<512x2048xbf16> to vector<512x1024xbf16>
    %slice3A_46 = vector.extract_strided_slice %min3A {offsets = [0, 1024], sizes = [512, 1024], strides = [1, 1]} : vector<512x2048xbf16> to vector<512x1024xbf16>
    %min3A_47 = arith.minimumf %slice3A_45, %slice3A_46 : vector<512x1024xbf16>
    %slice3A_48 = vector.extract_strided_slice %max3A_44 {offsets = [0, 0], sizes = [512, 512], strides = [1, 1]} : vector<512x1024xbf16> to vector<512x512xbf16>
    %slice3A_49 = vector.extract_strided_slice %max3A_44 {offsets = [0, 512], sizes = [512, 512], strides = [1, 1]} : vector<512x1024xbf16> to vector<512x512xbf16>
    %max3A_50 = arith.maximumf %slice3A_48, %slice3A_49 : vector<512x512xbf16>
    %slice3A_51 = vector.extract_strided_slice %min3A_47 {offsets = [0, 0], sizes = [512, 512], strides = [1, 1]} : vector<512x1024xbf16> to vector<512x512xbf16>
    %slice3A_52 = vector.extract_strided_slice %min3A_47 {offsets = [0, 512], sizes = [512, 512], strides = [1, 1]} : vector<512x1024xbf16> to vector<512x512xbf16>
    %min3A_53 = arith.minimumf %slice3A_51, %slice3A_52 : vector<512x512xbf16>
    %slice3A_54 = vector.extract_strided_slice %max3A_50 {offsets = [0, 0], sizes = [512, 256], strides = [1, 1]} : vector<512x512xbf16> to vector<512x256xbf16>
    %slice3A_55 = vector.extract_strided_slice %max3A_50 {offsets = [0, 256], sizes = [512, 256], strides = [1, 1]} : vector<512x512xbf16> to vector<512x256xbf16>
    %max3A_56 = arith.maximumf %slice3A_54, %slice3A_55 : vector<512x256xbf16>
    %slice3A_57 = vector.extract_strided_slice %min3A_53 {offsets = [0, 0], sizes = [512, 256], strides = [1, 1]} : vector<512x512xbf16> to vector<512x256xbf16>
    %slice3A_58 = vector.extract_strided_slice %min3A_53 {offsets = [0, 256], sizes = [512, 256], strides = [1, 1]} : vector<512x512xbf16> to vector<512x256xbf16>
    %min3A_59 = arith.minimumf %slice3A_57, %slice3A_58 : vector<512x256xbf16>
    %slice3A_60 = vector.extract_strided_slice %max3A_56 {offsets = [0, 0], sizes = [512, 128], strides = [1, 1]} : vector<512x256xbf16> to vector<512x128xbf16>
    %slice3A_61 = vector.extract_strided_slice %max3A_56 {offsets = [0, 128], sizes = [512, 128], strides = [1, 1]} : vector<512x256xbf16> to vector<512x128xbf16>
    %max3A_62 = arith.maximumf %slice3A_60, %slice3A_61 : vector<512x128xbf16>
    %slice3A_63 = vector.extract_strided_slice %min3A_59 {offsets = [0, 0], sizes = [512, 128], strides = [1, 1]} : vector<512x256xbf16> to vector<512x128xbf16>
    %slice3A_64 = vector.extract_strided_slice %min3A_59 {offsets = [0, 128], sizes = [512, 128], strides = [1, 1]} : vector<512x256xbf16> to vector<512x128xbf16>
    %min3A_65 = arith.minimumf %slice3A_63, %slice3A_64 : vector<512x128xbf16>
    %convert_element_type3A_66 = arith.extf %max3A_62 : vector<512x128xbf16> to vector<512x128xf32>
    %reduce_max3A = arith.constant dense<0xFF800000> : vector<512xf32>
    %reduce_max3A_67 = vector.multi_reduction <maximumf>, %convert_element_type3A_66, %reduce_max3A [1] : vector<512x128xf32> to vector<512xf32>
    %broadcast_in_dim3A_68 = vector.shape_cast %reduce_max3A_67 : vector<512xf32> to vector<512x1xf32>
    %convert_element_type3A_69 = arith.extf %min3A_65 : vector<512x128xbf16> to vector<512x128xf32>
    %reduce_min3A = arith.constant dense<0x7F800000> : vector<512xf32>
    %reduce_min3A_70 = vector.multi_reduction <minimumf>, %convert_element_type3A_69, %reduce_min3A [1] : vector<512x128xf32> to vector<512xf32>
    %broadcast_in_dim3A_71 = vector.shape_cast %reduce_min3A_70 : vector<512xf32> to vector<512x1xf32>
    %bitcast_convert_type3A = tpu.bitcast %broadcast_in_dim3A_68 : vector<512x1xf32> -> vector<512x1xi32>
    %shift_right_arithmetic3A = arith.constant 16 : i32
    %shift_right_arithmetic3A_72 = vector.broadcast %shift_right_arithmetic3A : i32 to vector<512x1xi32>
    %shift_right_arithmetic3A_73 = arith.shrsi %bitcast_convert_type3A, %shift_right_arithmetic3A_72 : vector<512x1xi32>
    %add3A_74 = arith.constant 1 : i32
    %add3A_75 = vector.broadcast %add3A_74 : i32 to vector<512x1xi32>
    %add3A_76 = arith.addi %shift_right_arithmetic3A_73, %add3A_75 : vector<512x1xi32>
    %bitcast_convert_type3A_77 = tpu.bitcast %broadcast_in_dim3A_71 : vector<512x1xf32> -> vector<512x1xi32>
    %shift_right_arithmetic3A_78 = arith.constant 16 : i32
    %shift_right_arithmetic3A_79 = vector.broadcast %shift_right_arithmetic3A_78 : i32 to vector<512x1xi32>
    %shift_right_arithmetic3A_80 = arith.shrsi %bitcast_convert_type3A_77, %shift_right_arithmetic3A_79 : vector<512x1xi32>
    %sub3A_81 = arith.constant 1 : i32
    %sub3A_82 = vector.broadcast %sub3A_81 : i32 to vector<512x1xi32>
    %sub3A_83 = arith.subi %shift_right_arithmetic3A_80, %sub3A_82 : vector<512x1xi32>
    %add3A_84 = arith.constant 1 : i32
    %add3A_85 = vector.broadcast %add3A_84 : i32 to vector<512x1xi32>
    %add3A_86 = arith.addi %sub3A_83, %add3A_85 : vector<512x1xi32>
    %shift_left3A = arith.constant 16 : i32
    %shift_left3A_87 = vector.broadcast %shift_left3A : i32 to vector<512x1xi32>
    %shift_left3A_88 = arith.shli %add3A_86, %shift_left3A_87 : vector<512x1xi32>
    %bitcast_convert_type3A_89 = tpu.bitcast %shift_left3A_88 : vector<512x1xi32> -> vector<512x1xf32>
    %sub3A_90 = arith.constant 1 : i32
    %sub3A_91 = vector.broadcast %sub3A_90 : i32 to vector<512x1xi32>
    %sub3A_92 = arith.subi %add3A_76, %sub3A_91 : vector<512x1xi32>
    %shift_left3A_93 = arith.constant 16 : i32
    %shift_left3A_94 = vector.broadcast %shift_left3A_93 : i32 to vector<512x1xi32>
    %shift_left3A_95 = arith.shli %sub3A_92, %shift_left3A_94 : vector<512x1xi32>
    %bitcast_convert_type3A_96 = tpu.bitcast %shift_left3A_95 : vector<512x1xi32> -> vector<512x1xf32>
    %broadcast_in_dim3A_97 = arith.constant 4.094000e+03 : f32
    %broadcast_in_dim3A_98 = vector.broadcast %broadcast_in_dim3A_97 : f32 to vector<512x1xf32>
    %broadcast_in_dim3A_99 = arith.constant 0.000000e+00 : f32
    %broadcast_in_dim3A_100 = vector.broadcast %broadcast_in_dim3A_99 : f32 to vector<512x1xf32>
    %while3A = arith.constant 4.090000e+02 : f32
    %while3A_101:6 = scf.while (%while3A_173 = %sub3A_83, %while3A_174 = %add3A_76, %while3A_175 = %bitcast_convert_type3A_89, %while3A_176 = %bitcast_convert_type3A_96, %while3A_177 = %broadcast_in_dim3A_98, %while3A_178 = %broadcast_in_dim3A_100) : (vector<512x1xi32>, vector<512x1xi32>, vector<512x1xf32>, vector<512x1xf32>, vector<512x1xf32>, vector<512x1xf32>) -> (vector<512x1xi32>, vector<512x1xi32>, vector<512x1xf32>, vector<512x1xf32>, vector<512x1xf32>, vector<512x1xf32>) {
      %sub3A_179 = arith.subi %while3A_174, %while3A_173 : vector<512x1xi32>
      %gt3A = arith.constant 1 : i32
      %gt3A_180 = vector.broadcast %gt3A : i32 to vector<512x1xi32>
      %gt3A_181 = arith.cmpi sgt, %sub3A_179, %gt3A_180 : vector<512x1xi32>
      %reduce_or3A = arith.constant 1.000000e+00 : f32
      %reduce_or3A_182 = arith.constant 0.000000e+00 : f32
      %reduce_or3A_183 = vector.broadcast %reduce_or3A : f32 to vector<512x1xf32>
      %reduce_or3A_184 = vector.broadcast %reduce_or3A_182 : f32 to vector<512x1xf32>
      %reduce_or3A_185 = arith.select %gt3A_181, %reduce_or3A_183, %reduce_or3A_184 : vector<512x1xi1>, vector<512x1xf32>
      %reduce_or3A_186 = vector.shape_cast %reduce_or3A_185 : vector<512x1xf32> to vector<1x512x1xf32>
      %reduce_or3A_187 = arith.constant dense<0xFF800000> : vector<1xf32>
      %reduce_or3A_188 = vector.multi_reduction <maximumf>, %reduce_or3A_186, %reduce_or3A_187 [1, 2] : vector<1x512x1xf32> to vector<1xf32>
      %reduce_or3A_189 = vector.shape_cast %reduce_or3A_188 : vector<1xf32> to vector<1x1x1xf32>
      %reduce_or3A_190 = vector.extract %reduce_or3A_189[0, 0, 0] : f32 from vector<1x1x1xf32>
      %reduce_or3A_191 = arith.constant 0.000000e+00 : f32
      %reduce_or3A_192 = arith.cmpf ogt, %reduce_or3A_190, %reduce_or3A_191 : f32
      scf.condition(%reduce_or3A_192) %while3A_173, %while3A_174, %while3A_175, %while3A_176, %while3A_177, %while3A_178 : vector<512x1xi32>, vector<512x1xi32>, vector<512x1xf32>, vector<512x1xf32>, vector<512x1xf32>, vector<512x1xf32>
    } do {
    ^bb0(%while3A_173: vector<512x1xi32>, %while3A_174: vector<512x1xi32>, %while3A_175: vector<512x1xf32>, %while3A_176: vector<512x1xf32>, %while3A_177: vector<512x1xf32>, %while3A_178: vector<512x1xf32>):
      %sub3A_179 = arith.subf %while3A_177, %while3A_178 : vector<512x1xf32>
      %max3A_180 = arith.constant 1.000000e+00 : f32
      %max3A_181 = vector.broadcast %max3A_180 : f32 to vector<512x1xf32>
      %max3A_182 = arith.maximumf %sub3A_179, %max3A_181 : vector<512x1xf32>
      %add3A_183 = arith.constant 5.000000e-01 : f32
      %add3A_184 = arith.addf %while3A, %add3A_183 : f32
      %sub3A_185 = vector.broadcast %add3A_184 : f32 to vector<512x1xf32>
      %sub3A_186 = arith.subf %while3A_177, %sub3A_185 : vector<512x1xf32>
      %div3A = arith.divf %sub3A_186, %max3A_182 : vector<512x1xf32>
      %sub3A_187 = arith.subf %while3A_176, %while3A_175 : vector<512x1xf32>
      %mul3A_188 = arith.mulf %sub3A_187, %div3A : vector<512x1xf32>
      %add3A_189 = arith.addf %while3A_175, %mul3A_188 : vector<512x1xf32>
      %bitcast_convert_type3A_190 = tpu.bitcast %add3A_189 : vector<512x1xf32> -> vector<512x1xi32>
      %shift_right_arithmetic3A_191 = arith.constant 16 : i32
      %shift_right_arithmetic3A_192 = vector.broadcast %shift_right_arithmetic3A_191 : i32 to vector<512x1xi32>
      %shift_right_arithmetic3A_193 = arith.shrsi %bitcast_convert_type3A_190, %shift_right_arithmetic3A_192 : vector<512x1xi32>
      %sub3A_194 = arith.subi %while3A_174, %while3A_173 : vector<512x1xi32>
      %shift_right_arithmetic3A_195 = arith.constant 3 : i32
      %shift_right_arithmetic3A_196 = vector.broadcast %shift_right_arithmetic3A_195 : i32 to vector<512x1xi32>
      %shift_right_arithmetic3A_197 = arith.shrsi %sub3A_194, %shift_right_arithmetic3A_196 : vector<512x1xi32>
      %max3A_198 = arith.constant 1 : i32
      %max3A_199 = vector.broadcast %max3A_198 : i32 to vector<512x1xi32>
      %max3A_200 = arith.maxsi %shift_right_arithmetic3A_197, %max3A_199 : vector<512x1xi32>
      %add3A_201 = arith.addi %while3A_173, %max3A_200 : vector<512x1xi32>
      %sub3A_202 = arith.subi %while3A_174, %max3A_200 : vector<512x1xi32>
      %max3A_203 = arith.maxsi %add3A_201, %shift_right_arithmetic3A_193 : vector<512x1xi32>
      %min3A_204 = arith.minsi %sub3A_202, %max3A_203 : vector<512x1xi32>
      %convert_element_type3A_205 = arith.trunci %min3A_204 : vector<512x1xi32> to vector<512x1xi16>
      %bitcast_convert_type3A_206 = tpu.bitcast %convert_element_type3A_205 : vector<512x1xi16> -> vector<512x1xbf16>
      %gt3A = vector.broadcast %bitcast_convert_type3A_206 : vector<512x1xbf16> to vector<512x4096xbf16>
      %gt3A_207 = arith.cmpf ogt, %convert_element_type3A_31, %gt3A : vector<512x4096xbf16>
      %jit3A_208 = arith.constant 1.000000e+00 : bf16
      %jit3A_209 = arith.constant 0.000000e+00 : bf16
      %broadcast_in_dim3A_210 = vector.broadcast %jit3A_208 : bf16 to vector<512x4096xbf16>
      %broadcast_in_dim3A_211 = vector.broadcast %jit3A_209 : bf16 to vector<512x4096xbf16>
      %select_n3A_212 = arith.select %gt3A_207, %broadcast_in_dim3A_210, %broadcast_in_dim3A_211 : vector<512x4096xi1>, vector<512x4096xbf16>
      %slice3A_213 = vector.extract_strided_slice %select_n3A_212 {offsets = [0, 0], sizes = [512, 2048], strides = [1, 1]} : vector<512x4096xbf16> to vector<512x2048xbf16>
      %slice3A_214 = vector.extract_strided_slice %select_n3A_212 {offsets = [0, 2048], sizes = [512, 2048], strides = [1, 1]} : vector<512x4096xbf16> to vector<512x2048xbf16>
      %add3A_215 = arith.addf %slice3A_213, %slice3A_214 : vector<512x2048xbf16>
      %slice3A_216 = vector.extract_strided_slice %add3A_215 {offsets = [0, 0], sizes = [512, 1024], strides = [1, 1]} : vector<512x2048xbf16> to vector<512x1024xbf16>
      %slice3A_217 = vector.extract_strided_slice %add3A_215 {offsets = [0, 1024], sizes = [512, 1024], strides = [1, 1]} : vector<512x2048xbf16> to vector<512x1024xbf16>
      %add3A_218 = arith.addf %slice3A_216, %slice3A_217 : vector<512x1024xbf16>
      %slice3A_219 = vector.extract_strided_slice %add3A_218 {offsets = [0, 0], sizes = [512, 512], strides = [1, 1]} : vector<512x1024xbf16> to vector<512x512xbf16>
      %slice3A_220 = vector.extract_strided_slice %add3A_218 {offsets = [0, 512], sizes = [512, 512], strides = [1, 1]} : vector<512x1024xbf16> to vector<512x512xbf16>
      %add3A_221 = arith.addf %slice3A_219, %slice3A_220 : vector<512x512xbf16>
      %slice3A_222 = vector.extract_strided_slice %add3A_221 {offsets = [0, 0], sizes = [512, 256], strides = [1, 1]} : vector<512x512xbf16> to vector<512x256xbf16>
      %slice3A_223 = vector.extract_strided_slice %add3A_221 {offsets = [0, 256], sizes = [512, 256], strides = [1, 1]} : vector<512x512xbf16> to vector<512x256xbf16>
      %add3A_224 = arith.addf %slice3A_222, %slice3A_223 : vector<512x256xbf16>
      %slice3A_225 = vector.extract_strided_slice %add3A_224 {offsets = [0, 0], sizes = [512, 128], strides = [1, 1]} : vector<512x256xbf16> to vector<512x128xbf16>
      %slice3A_226 = vector.extract_strided_slice %add3A_224 {offsets = [0, 128], sizes = [512, 128], strides = [1, 1]} : vector<512x256xbf16> to vector<512x128xbf16>
      %add3A_227 = arith.addf %slice3A_225, %slice3A_226 : vector<512x128xbf16>
      %convert_element_type3A_228 = arith.extf %add3A_227 : vector<512x128xbf16> to vector<512x128xf32>
      %reduce_sum3A_229 = arith.constant dense<0.000000e+00> : vector<512xf32>
      %reduce_sum3A_230 = vector.multi_reduction <add>, %convert_element_type3A_228, %reduce_sum3A_229 [1] : vector<512x128xf32> to vector<512xf32>
      %broadcast_in_dim3A_231 = vector.shape_cast %reduce_sum3A_230 : vector<512xf32> to vector<512x1xf32>
      %le3A = vector.broadcast %while3A : f32 to vector<512x1xf32>
      %le3A_232 = arith.cmpf ole, %broadcast_in_dim3A_231, %le3A : vector<512x1xf32>
      %shift_left3A_233 = arith.constant 16 : i32
      %shift_left3A_234 = vector.broadcast %shift_left3A_233 : i32 to vector<512x1xi32>
      %shift_left3A_235 = arith.shli %min3A_204, %shift_left3A_234 : vector<512x1xi32>
      %bitcast_convert_type3A_236 = tpu.bitcast %shift_left3A_235 : vector<512x1xi32> -> vector<512x1xf32>
      %select_n3A_237 = arith.select %le3A_232, %while3A_173, %min3A_204 : vector<512x1xi1>, vector<512x1xi32>
      %select_n3A_238 = arith.select %le3A_232, %min3A_204, %while3A_174 : vector<512x1xi1>, vector<512x1xi32>
      %select_n3A_239 = arith.select %le3A_232, %while3A_175, %bitcast_convert_type3A_236 : vector<512x1xi1>, vector<512x1xf32>
      %select_n3A_240 = arith.select %le3A_232, %bitcast_convert_type3A_236, %while3A_176 : vector<512x1xi1>, vector<512x1xf32>
      %select_n3A_241 = arith.select %le3A_232, %while3A_177, %broadcast_in_dim3A_231 : vector<512x1xi1>, vector<512x1xf32>
      %select_n3A_242 = arith.select %le3A_232, %broadcast_in_dim3A_231, %while3A_178 : vector<512x1xi1>, vector<512x1xf32>
      %sub3A_243 = arith.subf %select_n3A_241, %select_n3A_242 : vector<512x1xf32>
      %max3A_244 = arith.constant 1.000000e+00 : f32
      %max3A_245 = vector.broadcast %max3A_244 : f32 to vector<512x1xf32>
      %max3A_246 = arith.maximumf %sub3A_243, %max3A_245 : vector<512x1xf32>
      %add3A_247 = arith.constant 5.000000e-01 : f32
      %add3A_248 = arith.addf %while3A, %add3A_247 : f32
      %sub3A_249 = vector.broadcast %add3A_248 : f32 to vector<512x1xf32>
      %sub3A_250 = arith.subf %select_n3A_241, %sub3A_249 : vector<512x1xf32>
      %div3A_251 = arith.divf %sub3A_250, %max3A_246 : vector<512x1xf32>
      %sub3A_252 = arith.subf %select_n3A_240, %select_n3A_239 : vector<512x1xf32>
      %mul3A_253 = arith.mulf %sub3A_252, %div3A_251 : vector<512x1xf32>
      %add3A_254 = arith.addf %select_n3A_239, %mul3A_253 : vector<512x1xf32>
      %bitcast_convert_type3A_255 = tpu.bitcast %add3A_254 : vector<512x1xf32> -> vector<512x1xi32>
      %shift_right_arithmetic3A_256 = arith.constant 16 : i32
      %shift_right_arithmetic3A_257 = vector.broadcast %shift_right_arithmetic3A_256 : i32 to vector<512x1xi32>
      %shift_right_arithmetic3A_258 = arith.shrsi %bitcast_convert_type3A_255, %shift_right_arithmetic3A_257 : vector<512x1xi32>
      %sub3A_259 = arith.subi %select_n3A_238, %select_n3A_237 : vector<512x1xi32>
      %shift_right_arithmetic3A_260 = arith.constant 3 : i32
      %shift_right_arithmetic3A_261 = vector.broadcast %shift_right_arithmetic3A_260 : i32 to vector<512x1xi32>
      %shift_right_arithmetic3A_262 = arith.shrsi %sub3A_259, %shift_right_arithmetic3A_261 : vector<512x1xi32>
      %max3A_263 = arith.constant 1 : i32
      %max3A_264 = vector.broadcast %max3A_263 : i32 to vector<512x1xi32>
      %max3A_265 = arith.maxsi %shift_right_arithmetic3A_262, %max3A_264 : vector<512x1xi32>
      %add3A_266 = arith.addi %select_n3A_237, %max3A_265 : vector<512x1xi32>
      %sub3A_267 = arith.subi %select_n3A_238, %max3A_265 : vector<512x1xi32>
      %max3A_268 = arith.maxsi %add3A_266, %shift_right_arithmetic3A_258 : vector<512x1xi32>
      %min3A_269 = arith.minsi %sub3A_267, %max3A_268 : vector<512x1xi32>
      %convert_element_type3A_270 = arith.trunci %min3A_269 : vector<512x1xi32> to vector<512x1xi16>
      %bitcast_convert_type3A_271 = tpu.bitcast %convert_element_type3A_270 : vector<512x1xi16> -> vector<512x1xbf16>
      %gt3A_272 = vector.broadcast %bitcast_convert_type3A_271 : vector<512x1xbf16> to vector<512x4096xbf16>
      %gt3A_273 = arith.cmpf ogt, %convert_element_type3A_31, %gt3A_272 : vector<512x4096xbf16>
      %jit3A_274 = arith.constant 1.000000e+00 : bf16
      %jit3A_275 = arith.constant 0.000000e+00 : bf16
      %broadcast_in_dim3A_276 = vector.broadcast %jit3A_274 : bf16 to vector<512x4096xbf16>
      %broadcast_in_dim3A_277 = vector.broadcast %jit3A_275 : bf16 to vector<512x4096xbf16>
      %select_n3A_278 = arith.select %gt3A_273, %broadcast_in_dim3A_276, %broadcast_in_dim3A_277 : vector<512x4096xi1>, vector<512x4096xbf16>
      %slice3A_279 = vector.extract_strided_slice %select_n3A_278 {offsets = [0, 0], sizes = [512, 2048], strides = [1, 1]} : vector<512x4096xbf16> to vector<512x2048xbf16>
      %slice3A_280 = vector.extract_strided_slice %select_n3A_278 {offsets = [0, 2048], sizes = [512, 2048], strides = [1, 1]} : vector<512x4096xbf16> to vector<512x2048xbf16>
      %add3A_281 = arith.addf %slice3A_279, %slice3A_280 : vector<512x2048xbf16>
      %slice3A_282 = vector.extract_strided_slice %add3A_281 {offsets = [0, 0], sizes = [512, 1024], strides = [1, 1]} : vector<512x2048xbf16> to vector<512x1024xbf16>
      %slice3A_283 = vector.extract_strided_slice %add3A_281 {offsets = [0, 1024], sizes = [512, 1024], strides = [1, 1]} : vector<512x2048xbf16> to vector<512x1024xbf16>
      %add3A_284 = arith.addf %slice3A_282, %slice3A_283 : vector<512x1024xbf16>
      %slice3A_285 = vector.extract_strided_slice %add3A_284 {offsets = [0, 0], sizes = [512, 512], strides = [1, 1]} : vector<512x1024xbf16> to vector<512x512xbf16>
      %slice3A_286 = vector.extract_strided_slice %add3A_284 {offsets = [0, 512], sizes = [512, 512], strides = [1, 1]} : vector<512x1024xbf16> to vector<512x512xbf16>
      %add3A_287 = arith.addf %slice3A_285, %slice3A_286 : vector<512x512xbf16>
      %slice3A_288 = vector.extract_strided_slice %add3A_287 {offsets = [0, 0], sizes = [512, 256], strides = [1, 1]} : vector<512x512xbf16> to vector<512x256xbf16>
      %slice3A_289 = vector.extract_strided_slice %add3A_287 {offsets = [0, 256], sizes = [512, 256], strides = [1, 1]} : vector<512x512xbf16> to vector<512x256xbf16>
      %add3A_290 = arith.addf %slice3A_288, %slice3A_289 : vector<512x256xbf16>
      %slice3A_291 = vector.extract_strided_slice %add3A_290 {offsets = [0, 0], sizes = [512, 128], strides = [1, 1]} : vector<512x256xbf16> to vector<512x128xbf16>
      %slice3A_292 = vector.extract_strided_slice %add3A_290 {offsets = [0, 128], sizes = [512, 128], strides = [1, 1]} : vector<512x256xbf16> to vector<512x128xbf16>
      %add3A_293 = arith.addf %slice3A_291, %slice3A_292 : vector<512x128xbf16>
      %convert_element_type3A_294 = arith.extf %add3A_293 : vector<512x128xbf16> to vector<512x128xf32>
      %reduce_sum3A_295 = arith.constant dense<0.000000e+00> : vector<512xf32>
      %reduce_sum3A_296 = vector.multi_reduction <add>, %convert_element_type3A_294, %reduce_sum3A_295 [1] : vector<512x128xf32> to vector<512xf32>
      %broadcast_in_dim3A_297 = vector.shape_cast %reduce_sum3A_296 : vector<512xf32> to vector<512x1xf32>
      %le3A_298 = vector.broadcast %while3A : f32 to vector<512x1xf32>
      %le3A_299 = arith.cmpf ole, %broadcast_in_dim3A_297, %le3A_298 : vector<512x1xf32>
      %shift_left3A_300 = arith.constant 16 : i32
      %shift_left3A_301 = vector.broadcast %shift_left3A_300 : i32 to vector<512x1xi32>
      %shift_left3A_302 = arith.shli %min3A_269, %shift_left3A_301 : vector<512x1xi32>
      %bitcast_convert_type3A_303 = tpu.bitcast %shift_left3A_302 : vector<512x1xi32> -> vector<512x1xf32>
      %select_n3A_304 = arith.select %le3A_299, %select_n3A_237, %min3A_269 : vector<512x1xi1>, vector<512x1xi32>
      %select_n3A_305 = arith.select %le3A_299, %min3A_269, %select_n3A_238 : vector<512x1xi1>, vector<512x1xi32>
      %select_n3A_306 = arith.select %le3A_299, %select_n3A_239, %bitcast_convert_type3A_303 : vector<512x1xi1>, vector<512x1xf32>
      %select_n3A_307 = arith.select %le3A_299, %bitcast_convert_type3A_303, %select_n3A_240 : vector<512x1xi1>, vector<512x1xf32>
      %select_n3A_308 = arith.select %le3A_299, %select_n3A_241, %broadcast_in_dim3A_297 : vector<512x1xi1>, vector<512x1xf32>
      %select_n3A_309 = arith.select %le3A_299, %broadcast_in_dim3A_297, %select_n3A_242 : vector<512x1xi1>, vector<512x1xf32>
      scf.yield %select_n3A_304, %select_n3A_305, %select_n3A_306, %select_n3A_307, %select_n3A_308, %select_n3A_309 : vector<512x1xi32>, vector<512x1xi32>, vector<512x1xf32>, vector<512x1xf32>, vector<512x1xf32>, vector<512x1xf32>
    }
    %convert_element_type3A_102 = arith.trunci %while3A_101#1 : vector<512x1xi32> to vector<512x1xi16>
    %bitcast_convert_type3A_103 = tpu.bitcast %convert_element_type3A_102 : vector<512x1xi16> -> vector<512x1xbf16>
    %eq3A_104 = vector.broadcast %bitcast_convert_type3A_103 : vector<512x1xbf16> to vector<512x4096xbf16>
    %eq3A_105 = arith.cmpf oeq, %convert_element_type3A_31, %eq3A_104 : vector<512x4096xbf16>
    %get3A_106 = arith.constant 0 : index
    %get3A_107 = arith.constant 0 : index
    %get3A_108 = vector.load %arg5[%get3A_106, %get3A_107] : memref<1x4096xbf16, #tpu.memory_space<vmem>>, vector<1x4096xbf16>
    %get3A_109 = arith.constant 0 : index
    %get3A_110 = arith.constant 0 : index
    %get3A_111 = vector.load %arg6[%get3A_109, %get3A_110] : memref<1x4096xbf16, #tpu.memory_space<vmem>>, vector<1x4096xbf16>
    %broadcast_in_dim3A_112 = vector.shape_cast %get3A_108 : vector<1x4096xbf16> to vector<1x4096xbf16>
    %broadcast_in_dim3A_113 = vector.broadcast %broadcast_in_dim3A_112 : vector<1x4096xbf16> to vector<512x4096xbf16>
    %jit3A_114 = arith.constant 1.280000e+02 : bf16
    %broadcast_in_dim3A_115 = vector.broadcast %jit3A_114 : bf16 to vector<512x4096xbf16>
    %select_n3A_116 = arith.select %eq3A_105, %broadcast_in_dim3A_113, %broadcast_in_dim3A_115 : vector<512x4096xi1>, vector<512x4096xbf16>
    %slice3A_117 = vector.extract_strided_slice %select_n3A_116 {offsets = [0, 0], sizes = [512, 2048], strides = [1, 1]} : vector<512x4096xbf16> to vector<512x2048xbf16>
    %slice3A_118 = vector.extract_strided_slice %select_n3A_116 {offsets = [0, 2048], sizes = [512, 2048], strides = [1, 1]} : vector<512x4096xbf16> to vector<512x2048xbf16>
    %min3A_119 = arith.minimumf %slice3A_117, %slice3A_118 : vector<512x2048xbf16>
    %slice3A_120 = vector.extract_strided_slice %min3A_119 {offsets = [0, 0], sizes = [512, 1024], strides = [1, 1]} : vector<512x2048xbf16> to vector<512x1024xbf16>
    %slice3A_121 = vector.extract_strided_slice %min3A_119 {offsets = [0, 1024], sizes = [512, 1024], strides = [1, 1]} : vector<512x2048xbf16> to vector<512x1024xbf16>
    %min3A_122 = arith.minimumf %slice3A_120, %slice3A_121 : vector<512x1024xbf16>
    %slice3A_123 = vector.extract_strided_slice %min3A_122 {offsets = [0, 0], sizes = [512, 512], strides = [1, 1]} : vector<512x1024xbf16> to vector<512x512xbf16>
    %slice3A_124 = vector.extract_strided_slice %min3A_122 {offsets = [0, 512], sizes = [512, 512], strides = [1, 1]} : vector<512x1024xbf16> to vector<512x512xbf16>
    %min3A_125 = arith.minimumf %slice3A_123, %slice3A_124 : vector<512x512xbf16>
    %slice3A_126 = vector.extract_strided_slice %min3A_125 {offsets = [0, 0], sizes = [512, 256], strides = [1, 1]} : vector<512x512xbf16> to vector<512x256xbf16>
    %slice3A_127 = vector.extract_strided_slice %min3A_125 {offsets = [0, 256], sizes = [512, 256], strides = [1, 1]} : vector<512x512xbf16> to vector<512x256xbf16>
    %min3A_128 = arith.minimumf %slice3A_126, %slice3A_127 : vector<512x256xbf16>
    %slice3A_129 = vector.extract_strided_slice %min3A_128 {offsets = [0, 0], sizes = [512, 128], strides = [1, 1]} : vector<512x256xbf16> to vector<512x128xbf16>
    %slice3A_130 = vector.extract_strided_slice %min3A_128 {offsets = [0, 128], sizes = [512, 128], strides = [1, 1]} : vector<512x256xbf16> to vector<512x128xbf16>
    %min3A_131 = arith.minimumf %slice3A_129, %slice3A_130 : vector<512x128xbf16>
    %convert_element_type3A_132 = arith.extf %min3A_131 : vector<512x128xbf16> to vector<512x128xf32>
    %reduce_min3A_133 = arith.constant dense<0x7F800000> : vector<512xf32>
    %reduce_min3A_134 = vector.multi_reduction <minimumf>, %convert_element_type3A_132, %reduce_min3A_133 [1] : vector<512x128xf32> to vector<512xf32>
    %broadcast_in_dim3A_135 = vector.shape_cast %reduce_min3A_134 : vector<512xf32> to vector<512x1xf32>
    %convert_element_type3A_136 = arith.truncf %broadcast_in_dim3A_135 : vector<512x1xf32> to vector<512x1xbf16>
    %broadcast_in_dim3A_137 = vector.shape_cast %get3A_108 : vector<1x4096xbf16> to vector<1x4096xbf16>
    %broadcast_in_dim3A_138 = vector.broadcast %broadcast_in_dim3A_137 : vector<1x4096xbf16> to vector<512x4096xbf16>
    %eq3A_139 = vector.broadcast %convert_element_type3A_136 : vector<512x1xbf16> to vector<512x4096xbf16>
    %eq3A_140 = arith.cmpf oeq, %broadcast_in_dim3A_138, %eq3A_139 : vector<512x4096xbf16>
    %and3A_141 = arith.andi %eq3A_105, %eq3A_140 : vector<512x4096xi1>
    %broadcast_in_dim3A_142 = vector.shape_cast %get3A_111 : vector<1x4096xbf16> to vector<1x4096xbf16>
    %broadcast_in_dim3A_143 = vector.broadcast %broadcast_in_dim3A_142 : vector<1x4096xbf16> to vector<512x4096xbf16>
    %jit3A_144 = arith.constant 3.200000e+01 : bf16
    %broadcast_in_dim3A_145 = vector.broadcast %jit3A_144 : bf16 to vector<512x4096xbf16>
    %select_n3A_146 = arith.select %and3A_141, %broadcast_in_dim3A_143, %broadcast_in_dim3A_145 : vector<512x4096xi1>, vector<512x4096xbf16>
    %slice3A_147 = vector.extract_strided_slice %select_n3A_146 {offsets = [0, 0], sizes = [512, 2048], strides = [1, 1]} : vector<512x4096xbf16> to vector<512x2048xbf16>
    %slice3A_148 = vector.extract_strided_slice %select_n3A_146 {offsets = [0, 2048], sizes = [512, 2048], strides = [1, 1]} : vector<512x4096xbf16> to vector<512x2048xbf16>
    %min3A_149 = arith.minimumf %slice3A_147, %slice3A_148 : vector<512x2048xbf16>
    %slice3A_150 = vector.extract_strided_slice %min3A_149 {offsets = [0, 0], sizes = [512, 1024], strides = [1, 1]} : vector<512x2048xbf16> to vector<512x1024xbf16>
    %slice3A_151 = vector.extract_strided_slice %min3A_149 {offsets = [0, 1024], sizes = [512, 1024], strides = [1, 1]} : vector<512x2048xbf16> to vector<512x1024xbf16>
    %min3A_152 = arith.minimumf %slice3A_150, %slice3A_151 : vector<512x1024xbf16>
    %slice3A_153 = vector.extract_strided_slice %min3A_152 {offsets = [0, 0], sizes = [512, 512], strides = [1, 1]} : vector<512x1024xbf16> to vector<512x512xbf16>
    %slice3A_154 = vector.extract_strided_slice %min3A_152 {offsets = [0, 512], sizes = [512, 512], strides = [1, 1]} : vector<512x1024xbf16> to vector<512x512xbf16>
    %min3A_155 = arith.minimumf %slice3A_153, %slice3A_154 : vector<512x512xbf16>
    %slice3A_156 = vector.extract_strided_slice %min3A_155 {offsets = [0, 0], sizes = [512, 256], strides = [1, 1]} : vector<512x512xbf16> to vector<512x256xbf16>
    %slice3A_157 = vector.extract_strided_slice %min3A_155 {offsets = [0, 256], sizes = [512, 256], strides = [1, 1]} : vector<512x512xbf16> to vector<512x256xbf16>
    %min3A_158 = arith.minimumf %slice3A_156, %slice3A_157 : vector<512x256xbf16>
    %slice3A_159 = vector.extract_strided_slice %min3A_158 {offsets = [0, 0], sizes = [512, 128], strides = [1, 1]} : vector<512x256xbf16> to vector<512x128xbf16>
    %slice3A_160 = vector.extract_strided_slice %min3A_158 {offsets = [0, 128], sizes = [512, 128], strides = [1, 1]} : vector<512x256xbf16> to vector<512x128xbf16>
    %min3A_161 = arith.minimumf %slice3A_159, %slice3A_160 : vector<512x128xbf16>
    %convert_element_type3A_162 = arith.extf %min3A_161 : vector<512x128xbf16> to vector<512x128xf32>
    %reduce_min3A_163 = arith.constant dense<0x7F800000> : vector<512xf32>
    %reduce_min3A_164 = vector.multi_reduction <minimumf>, %convert_element_type3A_162, %reduce_min3A_163 [1] : vector<512x128xf32> to vector<512xf32>
    %broadcast_in_dim3A_165 = vector.shape_cast %reduce_min3A_164 : vector<512xf32> to vector<512x1xf32>
    %mul3A_166 = arith.constant 3.200000e+01 : f32
    %mul3A_167 = vector.broadcast %mul3A_166 : f32 to vector<512x1xf32>
    %mul3A_168 = arith.mulf %broadcast_in_dim3A_135, %mul3A_167 : vector<512x1xf32>
    %add3A_169 = arith.addf %mul3A_168, %broadcast_in_dim3A_165 : vector<512x1xf32>
    %convert_element_type3A_170 = arith.fptosi %add3A_169 : vector<512x1xf32> to vector<512x1xi32>
    %swap3A = arith.constant 0 : index
    %swap3A_171 = arith.constant 0 : index
    %swap3A_172 = vector.load %arg3[%swap3A, %swap3A_171] : memref<512x1xi32, #tpu.memory_space<vmem>>, vector<512x1xi32>
    tpu.vector_store %arg3[%swap3A, %swap3A_171], %convert_element_type3A_170 {strides = array<i32>} : memref<512x1xi32, #tpu.memory_space<vmem>>, vector<512x1xi32>,
    return
  }
  func.func @transform_0(%arg0: i32) -> (i32, i32) {
    %c0_i32 = arith.constant 0 : i32
    %c0_i32_0 = arith.constant 0 : i32
    return %arg0, %c0_i32 : i32, i32
  }
  func.func @transform_1(%arg0: i32) -> (i32, i32) {
    %c0_i32 = arith.constant 0 : i32
    %c0_i32_0 = arith.constant 0 : i32
    %c0_i32_1 = arith.constant 0 : i32
    return %c0_i32, %c0_i32_0 : i32, i32
  }
  func.func @transform_2(%arg0: i32) -> (i32, i32) {
    %c0_i32 = arith.constant 0 : i32
    %c0_i32_0 = arith.constant 0 : i32
    return %arg0, %c0_i32 : i32, i32
  }
}

</mosaic_0001>

<sc_bundles>
// kernel: kernel.4.cloned.1.call-start
scs
__scs_entry_jumppad:
0x0: {  	(pc) =	sbr.rel $0x88, $3  }
0x1: {  	(tag) =	ssettag $0x0;
	lr =	simm.s32 $0x1  }
0x2: {  	[smem:$0x3F9F] =	sst lr;
	_ =	strace $0xD0000000  }
0x3: {  	_ = 	snop  }
0x4: {  	_ = 	snop  }
0x5: {  	_ = 	snop  }
0x6: {  	_ = 	snop  }
0x7: {  	_ = 	snop  }
__scs_overlays_trampoline_lowered:
0x8: {  	[smem:$0x3FAE] =	sst s0  }
0x9: {  	[smem:$0x3FAF] =	sst s1  }
0xa: {  	[smem:$0x3FB0] =	sst s2  }
0xb: {  	[smem:$0x3FB1] =	sst s3  }
0xc: {  	[smem:$0x3FB2] =	sst s4  }
0xd: {  	[smem:$0x3FB3] =	sst s5  }
0xe: {  	[smem:$0x3FB4] =	sst s6  }
0xf: {  	[smem:$0x3FB5] =	sst s7  }
0x10: {  	[smem:$0x3FB6] =	sst s8  }
0x11: {  	[smem:$0x3FB7] =	sst s9;
	s0 =	simm.s32 @!p0 $0x0  }
0x12: {  	s1 =	sld [smem:$0x3F9D];
	s0 =	simm.s32 @p0 $0x1  }
0x13: {  	[smem:$0x3FB8] =	sst s0;
	s0 =	simm.s32 @!p1 $0x0  }
0x14: {  	s2 =	sld [smem:$0x3F9C];
	s0 =	simm.s32 @p1 $0x1  }
0x15: {  	[smem:$0x3FB9] =	sst s0;
	s0 =	simm.s32 @!p2 $0x0  }
0x16: {  	s3 =	sld [smem:$0x3FDB];
	s0 =	simm.s32 @p2 $0x1  }
0x17: {  	s4 =	simm.s32 $0x1BF5;
	[smem:$0x3FBB] =	sst s0  }
0x18: {  	s0 =	sld [smem:$0x3F9E];
	_ =	swait.ge [sflag:s4], $0x0  }
0x19: {  	s7 =	sld [smem:$0x3F9F]  }
0x1a: {  	s8 =	sadd.s32 $0xFFFFE003, lr  }
0x1b: {  	s9 =	sadd.s32 $0xFFFFFEF7, lr;
	s5 =	simm.s32 $0xFFFFFFFF;
	p2 =	slt.u32 s8, $0xFFFFF086  }
0x1c: {  	p1 =	slt.u32 s9, $0xF7A;
	s5 =	simm.s32 @!p2 $0x0  }
0x1d: {  	s5 =	simm.s32 @p1 $0x1;
	p0 =	seq.s32 s7, s2  }
0x1e: {  	s7 =	smul.u32 @!p0 $0xF7A, s2;
	p2 =	seq.s32 @!p0 s5, $0x0  }
0x1f: {  	s9 =	smul.u32 $0xF7A, s1;
	s8 =	simm.s32 @!p0 $0x1BF5;
	p2 =	por !p2, p0  }
0x20: {  	[sflag:s8] =	ssyncset.s32 @!p0 $0xFFFFF086;
	s6 =	sadd.s32 @!p0 s3, s7;
	s7 =	simm.s32 @!p0 $0x108  }
0x21: {  	s3 =	sadd.s32 s3, s9;
	s6 =	sadd.s32 @!p0 $0x88, s6;
	s7 =	simm.s32 @p2 $0x1082  }
0x22: {  	[simem:s7], [sflag:s8] =	dma.local @!p0 [hbm:s6], $0xF7A  }
0x23: {  	s9 =	sor.u32 $0xD0000000, s2;
	s6 =	simm.s32 $0x108;
	_ =	swait.ge @!p0 [sflag:s8], $0x0  }
0x24: {  	s3 =	sadd.s32 $0x88, s3;
	s6 =	simm.s32 @!p1 $0x1082;
	[sflag:s4] =	ssyncset.s32 $0xFFFFF086  }
0x25: {  	[simem:s6], [sflag:s4] =	dma.local [hbm:s3], $0xF7A  }
0x26: {  	[smem:$0x3F9F] =	sst s1;
	(tag) =	ssettag s2;
	_ =	strace s9  }
0x27: {  	s1 =	sld [smem:$0x3FAF]  }
0x28: {  	s2 =	sld [smem:$0x3FB0]  }
0x29: {  	s4 =	sld [smem:$0x3FB2]  }
0x2a: {  	p0 =	seq.s32 s5, $0x0;
	s5 =	sld [smem:$0x3FB3]  }
0x2b: {  	s6 =	sld [smem:$0x3FB4]  }
0x2c: {  	s7 =	sld [smem:$0x3FB5]  }
0x2d: {  	s3 =	simm.s32 $0x108;
	s8 =	sld [smem:$0x3FB6]  }
0x2e: {  	s3 =	simm.s32 @!p0 $0x1082;
	s9 =	sld [smem:$0x3FB7]  }
0x2f: {  	lr =	sadd.s32 s0, s3;
	s0 =	sld [smem:$0x3FAE]  }
0x30: {  	s3 =	sld [smem:$0x3FB1]  }
0x31: {  	[smem:$0x3FBA] =	sst s10  }
0x32: {  	s10 =	sld [smem:$0x3FB8];
	_ =	sdelay $0x3  }
0x33: {  	p0 =	seq.s32 s10, $0x1;
	s10 =	sld [smem:$0x3FBA];
	_ =	sdelay $0x3  }
0x34: {  	[smem:$0x3FBA] =	sst s10  }
0x35: {  	s10 =	sld [smem:$0x3FB9];
	_ =	sdelay $0x3  }
0x36: {  	p1 =	seq.s32 s10, $0x1;
	s10 =	sld [smem:$0x3FBA];
	_ =	sdelay $0x3  }
0x37: {  	[smem:$0x3FBA] =	sst s10  }
0x38: {  	s10 =	sld [smem:$0x3FBB]  }
0x39: {  	_ = 	snop;
	(pc) =	sbr.ind lr, $3  }
0x3a: {  	_ = 	snop  }
0x3b: {  	_ = 	snop  }
0x3c: {  	p2 =	seq.s32 s10, $0x1;
	s10 =	sld [smem:$0x3FBA]  }
0x3d: {  	_ =	shalt  }
0x3e: {  	_ =	shalt  }
0x3f: {  	_ =	shalt  }
0x40: {  	_ =	shalt  }
0x41: {  	_ =	shalt  }
0x42: {  	_ =	shalt  }
0x43: {  	_ =	shalt  }
0x44: {  	_ =	shalt  }
0x45: {  	_ =	shalt  }
0x46: {  	_ =	shalt  }
0x47: {  	_ =	shalt  }
0x48: {  	_ =	shalt  }
0x49: {  	_ =	shalt  }
0x4a: {  	_ =	shalt  }
0x4b: {  	_ =	shalt  }
0x4c: {  	_ =	shalt  }
0x4d: {  	_ =	shalt  }
0x4e: {  	_ =	shalt  }
0x4f: {  	_ =	shalt  }
0x50: {  	_ =	shalt  }
0x51: {  	_ =	shalt  }
0x52: {  	_ =	shalt  }
0x53: {  	_ =	shalt  }
0x54: {  	_ =	shalt  }
0x55: {  	_ =	shalt  }
0x56: {  	_ =	shalt  }
0x57: {  	_ =	shalt  }
0x58: {  	_ =	shalt  }
0x59: {  	_ =	shalt  }
0x5a: {  	_ =	shalt  }
0x5b: {  	_ =	shalt  }
0x5c: {  	_ =	shalt  }
0x5d: {  	_ =	shalt  }
0x5e: {  	_ =	shalt  }
0x5f: {  	_ =	shalt  }
0x60: {  	_ =	shalt  }
0x61: {  	_ =	shalt  }
0x62: {  	_ =	shalt  }
0x63: {  	_ =	shalt  }
0x64: {  	_ =	shalt  }
0x65: {  	_ =	shalt  }
0x66: {  	_ =	shalt  }
0x67: {  	_ =	shalt  }
0x68: {  	_ =	shalt  }
0x69: {  	_ =	shalt  }
0x6a: {  	_ =	shalt  }
0x6b: {  	_ =	shalt  }
0x6c: {  	_ =	shalt  }
0x6d: {  	_ =	shalt  }
0x6e: {  	_ =	shalt  }
0x6f: {  	_ =	shalt  }
0x70: {  	_ =	shalt  }
0x71: {  	_ =	shalt  }
0x72: {  	_ =	shalt  }
0x73: {  	_ =	shalt  }
0x74: {  	_ =	shalt  }
0x75: {  	_ =	shalt  }
0x76: {  	_ =	shalt  }
0x77: {  	_ =	shalt  }
0x78: {  	_ =	shalt  }
0x79: {  	_ =	shalt  }
0x7a: {  	_ =	shalt  }
0x7b: {  	_ =	shalt  }
0x7c: {  	_ =	shalt  }
0x7d: {  	_ =	shalt  }
0x7e: {  	_ =	shalt  }
0x7f: {  	_ =	shalt  }
0x80: {  	_ =	shalt  }
0x81: {  	_ =	shalt  }
0x82: {  	_ =	shalt  }
0x83: {  	_ =	shalt  }
0x84: {  	_ =	shalt  }
0x85: {  	_ =	shalt  }
0x86: {  	_ =	shalt  }
0x87: {  	_ =	shalt  }
.Lfunc_end0:
.L_simem_size_0:
called_computation_lowered:
.L_overlay_start_0:
0x88: {  	s2 =	sld [smem:$0x3FD9]  }
0x89: {  	s3 =	sld [smem:$0x3FFE];
	_ =	sdelay $0x1  }
0x8a: {  	s1 =	srdreg.scid  }
0x8b: {  	s0 =	sand.u32 $0x1, s1  }
0x8c: {  	s17 =	sshll.u32 s0, $0xA;
	s2 =	sadd.s32 s3, s2  }
0x8d: {  	s2 =	sadd.s32 s2, s17  }
0x8e: {  	[smem:$0x3FC6] =	sst s2  }
0x8f: {  	_ = 	snop  }
0x90: {  	s2 =	sld [smem:$0x3FC9]  }
0x91: {  	s18 =	sld [smem:$0x3FC8];
	(tm) =	ssettm $0x1  }
0x92: {  	s4 =	sld [smem:$0x3FFB];
	_ =	sdelay $0x3  }
0x93: {  	_ =	strace s4  }
0x94: {  	s4 =	sld [smem:$0x3FFC];
	_ =	sdelay $0x3  }
0x95: {  	_ =	strace s4  }
0x96: {  	s4 =	sld [smem:$0x3FFD];
	_ =	sdelay $0x3  }
0x97: {  	_ =	strace s4  }
0x98: {  	_ =	strace $0x8FFFFFFF  }
0x99: {  	s19 =	sld [smem:$0x3FDB];
	_ =	sdelay $0x1  }
0x9a: {  	s5 =	simm.s32 $_scs_section_size  }
0x9b: {  	s6 =	simm.s32 $_size__tile_overlayer_lowered;
	s7 =	simm.s32 $_tile_overlayer_lowered  }
0x9c: {  	s22 =	simm.s32 $0x1BFF;
	s21 =	sshll.u32 s7, $0x1;
	s4 =	sadd.s32 s5, s19  }
0x9d: {  	s8 =	simm.s32 $0x0;
	s20 =	sshll.u32 s6, $0x1;
	s6 =	sadd.s32 s21, s4  }
0x9e: {  	[timem:s8], [sflag:s22] =	dma.local [hbm:s6], s20  }
0x9f: {  	_ =	swait.ge [sflag:s22], s20  }
0xa0: {  	s5 =	ssub.s32 $0x0, s20;
	[sflag:s22] =	ssyncset.done $0x0  }
0xa1: {  	[sflag:s22] =	ssyncadd.s32 s5;
	_ =	sdelay $0x1  }
0xa2: {  	s23 =	simm.s32 $0x1B8B  }
0xa3: {  	_ =	swait.ge [sflag:s23], $0x1  }
0xa4: {  	[sflag:s23] =	ssyncset.done $0x0  }
0xa5: {  	s25 =	simm.s32 $0x1B8E;
	s24 =	sld [smem:$0x3FFE];
	[sflag:s23] =	ssyncadd.s32 $0xFFFFFFFF  }
0xa6: {  	s26 =	simm.s32 $execute0_lowered;
	[smem:$0x3FD2] =	sst s25  }
0xa7: {  	s6 =	sshll.u32 s26, $0x1;
	_ =	strace $0x80000046;
	[dreg:$0x1] =	wrdreg $0xFFFFFFFF  }
0xa8: {  	s28 =	simm.s32 $_size_execute0_lowered;
	s4 =	sadd.s32 s4, s6;
	[dreg:$0x0] =	wrdreg $0x0  }
0xa9: {  	s6 =	sshll.u32 s28, $0x1;
	[dreg:$0x2] =	wrdreg s4  }
0xaa: {  	[dreg:$0x3] =	wrdreg s6  }
0xab: {  	[dreg:$0x4] =	wrdreg $0xC0  }
0xac: {  	_ =	task [dreg:s8], $0x5FFFF  }
0xad: {  	[dreg:$0x1] =	wrdreg $0xFFFFFFFF  }
0xae: {  	[dreg:$0x0] =	wrdreg $0x60  }
0xaf: {  	[dreg:$0x2] =	wrdreg s2  }
0xb0: {  	[dreg:$0x3] =	wrdreg s18  }
0xb1: {  	[dreg:$0x4] =	wrdreg s24  }
0xb2: {  	[dreg:$0x5] =	wrdreg $0x9  }
0xb3: {  	_ =	task.clear_ibuf [dreg:s8], $0x6FFFF;
	_ =	strace $0x90000046  }
0xb4: {  	s29 =	simm.s32 $0x9;
	_ =	strace $0x80000048  }
0xb5: {  	_ =	swait.ge [sflag:s29], $0x1  }
0xb6: {  	[sflag:s29] =	ssyncadd.s32 $0xFFFFFFFF  }
0xb7: {  	_ =	strace $0x90000048  }
0xb8: {  	_ =	sfence  }
0xb9: {  	s30 =	sld [smem:$0x0];
	_ =	sdelay $0x2  }
0xba: {  	s31 =	sshll.u32 s1, $0xD;
	s1 =	sshrl.u32 s1, $0x2  }
0xbb: {  	s3 =	sand.u32 $0x4000, s31;
	s1 =	sadd.s32 s1, s30  }
0xbc: {  	s0 =	sor.u32 s3, s0;
	s1 =	sshll.u32 s1, $0x11  }
0xbd: {  	s0 =	sor.u32 s1, s0  }
0xbe: {  	s0 =	sadd.s32 $0x8F2B, s0  }
0xbf: {  	[sflag:s0] =	ssyncadd.remote.s32 $0x1  }
0xc0: {  	_ =	sfence.sel $0xFFFF  }
0xc1: {  	[dreg:$0x0] =	wrdreg $0xFFFFFFFF;
	(pc) =	sbr.abs _section_cstart, $3  }
0xc2: {  	[dreg:$0x1] =	wrdreg $0xFFFFFFFF  }
0xc3: {  	_ =	task.clear_ibuf [dreg:s8], $0x2FFFF;
	_ =	strace $0x9FFFFFFF  }
0xc4: {  	(tm) =	ssettm $0x7FFFFFFF  }
0xc5: {  	_ =	shalt  }
tec
execute0_lowered:
.L_overlay_start_1:
0x0: {  	(tag) =	ssettag $0x1  }
0x1: {  	v0 =	vimm.s32 $0xFEDCBA98;
	v1 =	vimm.s32 $0x76543210;
	s5 =	rddreg [dreg:$0x0]  }
0x2: {  	s0 =	rddreg [dreg:$0x1];
	v2 =	vimm.s32 $0xBA98FEDC;
	v3 =	vimm.s32 $0x32107654;
	v4 =	vimm.s32 $0xDCFE98BA  }
0x3: {  	s4 =	rddreg [dreg:$0x2];
	v5 =	vimm.s32 $0x54761032;
	v6 =	vimm.s32 $0xEFCDAB89;
	v7 =	vimm.s32 $0x67452301  }
0x4: {  	s2 =	simm.s32 $0x0;
	s3 =	srdreg.scid;
	s1 =	stileid.u32;
	v0 =	vunpack.c.l.s4.s8 v0;
	v1 =	vunpack.c.l.s4.s8 v1;
	v2 =	vunpack.c.l.s4.s8 v2  }
0x5: {  	s10 =	simm.s32 $0x1;
	s11 =	simm.s32 $0x4080;
	s12 =	simm.s32 $0x8080;
	v3 =	vunpack.c.l.s4.s8 v3;
	v4 =	vunpack.c.l.s4.s8 v4;
	v5 =	vunpack.c.l.s4.s8 v5  }
0x6: {  	s13 =	simm.s32 $0x0;
	[smem:$0x7FF] =	sst s2;
	s6 =	sand.u32 $0x1, s3;
	v6 =	vunpack.c.l.s4.s8 v6;
	v7 =	vunpack.c.l.s4.s8 v7;
	v0 =	vunpack.c.0.s8.s32 v0  }
0x7: {  	s7 =	sshll.u32 s1, $0x1;
	s3 =	rddreg [dreg:$0x3];
	s8 =	ssub.s32 $0x2, s6;
	v1 =	vunpack.c.0.s8.s32 v1;
	v2 =	vunpack.c.0.s8.s32 v2;
	v3 =	vunpack.c.0.s8.s32 v3  }
0x8: {  	s6 =	sor.u32 s6, s7;
	_ =	strace $0x80000047;
	s31 =	sshrl.u32 s8, $0x1;
	v4 =	vunpack.c.0.s8.s32 v4;
	v5 =	vunpack.c.0.s8.s32 v5;
	v0 =	vand.u32 $0xF, v0  }
0x9: {  	s9 =	sshll.u32 s6, $0x4;
	s6 =	sshll.u32 s6, $0xB;
	v6 =	vunpack.c.0.s8.s32 v6;
	v7 =	vunpack.c.0.s8.s32 v7;
	s7 =	ssub.s32 s8, s31;
	v0 =	vcombine.low v0, v1  }
0xa: {  	s4 =	sadd.s32 s4, s9;
	s5 =	sadd.s32 s5, s6;
	s8 =	simm.s32 $0x2;
	v1 =	vcombine.low v3, v2;
	v2 =	vcombine.low v5, v4  }
0xb: {  	s9 =	simm.s32 $0x80;
	s6 =	sadd.s32 $0x200, s4;
	s7 =	smax.u32 s7, $0x1;
	v3 =	vcombine.low v7, v6;
	v4 =	vlaneseq.u32  }
.LBB2_1:
0xc: {  	[tilespmem:s2], [sflag:$0x2] =	stream.linear.gather [hbm4b:s4+s2], $0x80, $0x38;
	[tilespmem:$0x8100] =	vst v63  }
0xd: {  	_ =	swait.ge [sflag:s8], $0x80  }
0xe: {  	[sflag:s8] =	ssyncset.done $0x0  }
0xf: {  	[sflag:s8] =	ssyncadd.s32 $0xFFFFFF80  }
0x10: {  	[tilespmem:s9], [sflag:$0x1] =	stream.indirect.gather [hbm4b:s0+s9], $0x80, s2, s9, $0xb8;
	[tilespmem:$0x8100] =	vst v63  }
0x11: {  	_ =	swait.ge [sflag:s10], $0x4000  }
0x12: {  	[sflag:s10] =	ssyncset.done $0x0  }
0x13: {  	[sflag:s10] =	ssyncadd.s32 $0xFFFFC000  }
0x14: {  	[tilespmem:s11], [sflag:$0x2] =	stream.linear.gather [hbm4b:s5+s2], $0x4000, $0x38;
	[tilespmem:$0x8100] =	vst v63  }
0x15: {  	_ =	swait.ge [sflag:s8], $0x4000  }
0x16: {  	s14 =	simm.s32 $0x40C0;
	[sflag:s8] =	ssyncset.done $0x0  }
0x17: {  	v5 =	vimm.f32 $0.0e+00;
	s15 =	simm.s32 $0xC0;
	s16 =	simm.s32 $0x0;
	[sflag:s8] =	ssyncadd.s32 $0xFFFFC000  }
.LBB2_2:
0x18: {  	v6 =	vld [tilespmem:s14+$0xFFFFFFE0]  }
0x19: {  	v7 =	vld [tilespmem:s15+$0xFFFFFFE0]  }
0x1a: {  	v8 =	vld [tilespmem:s14+$0xFFFFFFC0]  }
0x1b: {  	v9 =	vld [tilespmem:s15+$0xFFFFFFC0]  }
0x1c: {  	v10 =	vld [tilespmem:s14+$0xFFFFFFD0]  }
0x1d: {  	v11 =	vld [tilespmem:s15+$0xFFFFFFD0]  }
0x1e: {  	v14 =	vld [tilespmem:s14+$0xFFFFFFF0]  }
0x1f: {  	v15 =	vld [tilespmem:s15+$0xFFFFFFF0]  }
0x20: {  	v12 =	vld [tilespmem:s14+$0x30]  }
0x21: {  	v16 =	vld [tilespmem:s14+$0x10]  }
0x22: {  	v8 =	vsub.f32 v8, v9;
	v9 =	vld [tilespmem:s14+$0x0]  }
0x23: {  	v10 =	vsub.f32 v10, v11;
	v11 =	vld [tilespmem:s15+$0x0]  }
0x24: {  	v17 =	vld [tilespmem:s14+$0x20];
	v6 =	vsub.f32 v6, v7;
	v14 =	vsub.f32 v14, v15  }
0x25: {  	v15 =	vld [tilespmem:s15+$0x20];
	v8 =	vadd.f32 $9.999999930e-09, v8;
	v7 =	vadd.f32 $9.999999930e-09, v10  }
0x26: {  	v10 =	vld [tilespmem:s15+$0x10]  }
0x27: {  	v13 =	vld [tilespmem:s15+$0x30];
	s17 =	sadd.s32 $0x80, s14;
	v6 =	vadd.f32 $9.999999930e-09, v6;
	v8 =	vmul.f32 v8, v8;
	v7 =	vmul.f32 v7, v7  }
0x28: {  	v18 =	vld [tilespmem:s17+$0xFFFFFFE0];
	v9 =	vsub.f32 v9, v11  }
0x29: {  	s18 =	sadd.s32 $0x80, s15;
	v20 =	vld [tilespmem:s17+$0x30];
	v6 =	vmul.f32 v6, v6;
	v11 =	vadd.f32 $9.999999930e-09, v14;
	v7 =	vadd.f32 v7, v8  }
0x2a: {  	v21 =	vld [tilespmem:s18+$0x30];
	v15 =	vsub.f32 v17, v15;
	v9 =	vadd.f32 $9.999999930e-09, v9  }
0x2b: {  	v17 =	vld [tilespmem:s18+$0xFFFFFFD0];
	v10 =	vsub.f32 v16, v10;
	v6 =	vadd.f32 v6, v7;
	v7 =	vmul.f32 v11, v11  }
0x2c: {  	v8 =	vld [tilespmem:s17+$0xFFFFFFC0]  }
0x2d: {  	v16 =	vld [tilespmem:s18+$0xFFFFFFC0];
	v10 =	vadd.f32 $9.999999930e-09, v10;
	v6 =	vadd.f32 v7, v6;
	v7 =	vmul.f32 v9, v9  }
0x2e: {  	v12 =	vsub.f32 v12, v13;
	v11 =	vld [tilespmem:s17+$0xFFFFFFD0]  }
0x2f: {  	v14 =	vld [tilespmem:s18+$0xFFFFFFE0];
	v9 =	vadd.f32 $9.999999930e-09, v15;
	v6 =	vadd.f32 v7, v6;
	v7 =	vmul.f32 v10, v10  }
0x30: {  	v13 =	vld [tilespmem:s18+$0xFFFFFFF0]  }
0x31: {  	v12 =	vadd.f32 $9.999999930e-09, v12;
	v10 =	vld [tilespmem:s17+$0xFFFFFFF0];
	v6 =	vadd.f32 v7, v6;
	v7 =	vmul.f32 v9, v9  }
0x32: {  	v15 =	vld [tilespmem:s17+$0x0];
	v8 =	vsub.f32 v8, v16  }
0x33: {  	v9 =	vsub.f32 v11, v17;
	v11 =	vld [tilespmem:s18+$0x0];
	v6 =	vadd.f32 v7, v6;
	v7 =	vmul.f32 v12, v12  }
0x34: {  	v16 =	vld [tilespmem:s18+$0x10];
	v8 =	vadd.f32 $9.999999930e-09, v8;
	v12 =	vsub.f32 v18, v14  }
0x35: {  	v14 =	vld [tilespmem:s17+$0x10];
	v9 =	vadd.f32 $9.999999930e-09, v9;
	v6 =	vadd.f32 v7, v6  }
0x36: {  	v19 =	vld [tilespmem:s18+$0x20];
	v7 =	vmul.f32 v8, v8;
	v8 =	vsub.f32 v10, v13  }
0x37: {  	s21 =	sadd.s32 $0x80, s17;
	v13 =	vld [tilespmem:s17+$0x20];
	v12 =	vadd.f32 $9.999999930e-09, v12;
	v17 =	vmul.f32 v9, v9;
	v18 =	vperm.xlane v6, v0  }
0x38: {  	s20 =	sadd.s32 $0x80, s18;
	v9 =	vld [tilespmem:s21+$0xFFFFFFE0];
	v15 =	vsub.f32 v15, v11;
	v8 =	vadd.f32 $9.999999930e-09, v8  }
0x39: {  	v10 =	vld [tilespmem:s20+$0xFFFFFFE0];
	v7 =	vadd.f32 v17, v7;
	v12 =	vmul.f32 v12, v12;
	v6 =	vadd.f32 v6, v18  }
0x3a: {  	v11 =	vld [tilespmem:s21+$0xFFFFFFC0];
	v17 =	vadd.f32 $9.999999930e-09, v15;
	v15 =	vsub.f32 v14, v16  }
0x3b: {  	v14 =	vld [tilespmem:s20+$0xFFFFFFC0];
	v7 =	vadd.f32 v12, v7;
	v8 =	vmul.f32 v8, v8;
	v22 =	vperm.xlane v6, v1  }
0x3c: {  	v18 =	vld [tilespmem:s21+$0xFFFFFFD0];
	v12 =	vadd.f32 $9.999999930e-09, v15;
	v13 =	vsub.f32 v13, v19  }
0x3d: {  	s19 =	simm.s32 $0x0;
	v19 =	vld [tilespmem:s20+$0xFFFFFFD0];
	v16 =	vmul.f32 v17, v17;
	v15 =	vadd.f32 v8, v7;
	v8 =	vadd.f32 v6, v22  }
0x3e: {  	s22 =	simm.s32 $0x3;
	s18 =	simm.s32 $0x1;
	s17 =	simm.s32 $0x2;
	v17 =	vsub.f32 v20, v21;
	v7 =	vld [tilespmem:s21+$0x30];
	v13 =	vadd.f32 $9.999999930e-09, v13;
	v6 =	vimm.f32 $0.0e+00  }
.LBB2_3:
0x3f: {  	p0 =	sne.s32 s22, $0xF;
	v20 =	vld [tilespmem:s20+$0x30];
	v15 =	vadd.f32 v16, v15;
	v12 =	vmul.f32 v12, v12;
	v16 =	vperm.xlane v8, v2  }
0x40: {  	v9 =	vsub.f32 v9, v10;
	v10 =	vld [tilespmem:s21+$0xFFFFFFF0];
	v17 =	vadd.f32 $9.999999930e-09, v17  }
0x41: {  	v13 =	vmul.f32 v13, v13;
	v21 =	vld [tilespmem:s20+$0xFFFFFFF0];
	v12 =	vadd.f32 v12, v15;
	v8 =	vadd.f32 v8, v16  }
0x42: {  	v11 =	vsub.f32 v11, v14;
	v14 =	vsub.f32 v18, v19;
	v15 =	vld [tilespmem:s21+$0x0]  }
0x43: {  	v16 =	vld [tilespmem:s20+$0x0];
	v12 =	vadd.f32 v13, v12;
	v13 =	vmul.f32 v17, v17;
	v17 =	vperm.xlane v8, v3  }
0x44: {  	v11 =	vadd.f32 $9.999999930e-09, v11;
	v19 =	vmov s19;
	s19 =	smov.u32 s18;
	s18 =	smov.u32 s17;
	s17 =	smov.u32 s22;
	v14 =	vadd.f32 $9.999999930e-09, v14;
	v18 =	vld [tilespmem:s21+$0x10]  }
0x45: {  	vm0 =	veq.s32 v19, v4;
	v22 =	vld [tilespmem:s20+$0x10];
	v12 =	vadd.f32 v13, v12;
	v8 =	vadd.f32 v8, v17  }
0x46: {  	v11 =	vmul.f32 v11, v11;
	v13 =	vadd.f32 $9.999999930e-09, v9;
	v10 =	vsub.f32 v10, v21;
	v17 =	vld [tilespmem:s21+$0x20]  }
0x47: {  	v14 =	vmul.f32 v14, v14;
	s21 =	sadd.s32 $0x80, s21;
	v19 =	vld [tilespmem:s20+$0x20];
	v21 =	vperm.xlane v12, v0;
	v6 =	vsel vm0, v8, v6  }
0x48: {  	s20 =	sadd.s32 $0x80, s20;
	v9 =	vld [tilespmem:s21+$0xFFFFFFE0];
	v8 =	vadd.f32 $9.999999930e-09, v10;
	v15 =	vsub.f32 v15, v16  }
0x49: {  	v13 =	vmul.f32 v13, v13;
	v16 =	vadd.f32 v14, v11;
	v10 =	vld [tilespmem:s20+$0xFFFFFFE0];
	v21 =	vadd.f32 v12, v21  }
.Ltmp0:
0x4a: {  	v11 =	vld [tilespmem:s21+$0xFFFFFFC0];
	v23 =	vadd.f32 $9.999999930e-09, v15;
	v12 =	vsub.f32 v18, v22;
	(pc) =	sbr.rel @p0 .LBB2_3-.Ltmp0, $4  }
0x4b: {  	v13 =	vadd.f32 v13, v16;
	v8 =	vmul.f32 v8, v8;
	v14 =	vld [tilespmem:s20+$0xFFFFFFC0];
	v22 =	vperm.xlane v21, v1  }
0x4c: {  	v18 =	vld [tilespmem:s21+$0xFFFFFFD0];
	v12 =	vadd.f32 $9.999999930e-09, v12;
	v17 =	vsub.f32 v17, v19  }
0x4d: {  	v15 =	vadd.f32 v8, v13;
	v16 =	vmul.f32 v23, v23;
	v19 =	vld [tilespmem:s20+$0xFFFFFFD0];
	v8 =	vadd.f32 v21, v22  }
0x4e: {  	s22 =	sadd.s32 $0x1, s22;
	v13 =	vadd.f32 $9.999999930e-09, v17;
	v17 =	vsub.f32 v7, v20;
	v7 =	vld [tilespmem:s21+$0x30]  }
0x4f: {  	v20 =	vld [tilespmem:s21+$0xFFFFFFF0]  }
0x50: {  	v21 =	vld [tilespmem:s20+$0xFFFFFFF0]  }
0x51: {  	v40 =	vld [tilespmem:s21+$0x0]  }
0x52: {  	v41 =	vld [tilespmem:s20+$0x0];
	v11 =	vsub.f32 v11, v14;
	v18 =	vsub.f32 v18, v19  }
0x53: {  	v22 =	vld [tilespmem:s21+$0x10];
	v9 =	vsub.f32 v9, v10  }
0x54: {  	v43 =	vld [tilespmem:s20+$0x10];
	v11 =	vadd.f32 $9.999999930e-09, v11;
	v42 =	vadd.f32 $9.999999930e-09, v18  }
0x55: {  	v23 =	vld [tilespmem:s21+$0x20];
	v9 =	vadd.f32 $9.999999930e-09, v9  }
0x56: {  	v44 =	vld [tilespmem:s20+$0x20];
	v11 =	vmul.f32 v11, v11;
	v20 =	vsub.f32 v20, v21;
	v10 =	vmul.f32 v42, v42  }
0x57: {  	v14 =	vsub.f32 v40, v41  }
0x58: {  	v46 =	vld [tilespmem:s20+$0x30];
	v9 =	vmul.f32 v9, v9;
	v45 =	vadd.f32 $9.999999930e-09, v20;
	v10 =	vadd.f32 v10, v11  }
0x59: {  	v18 =	vsub.f32 v22, v43  }
0x5a: {  	v14 =	vadd.f32 $9.999999930e-09, v14;
	v47 =	vmul.f32 v45, v45;
	v9 =	vadd.f32 v9, v10  }
0x5b: {  	v48 =	vsub.f32 v23, v44  }
0x5c: {  	v18 =	vadd.f32 $9.999999930e-09, v18;
	v49 =	vmul.f32 v14, v14;
	v9 =	vadd.f32 v47, v9  }
0x5d: {  	v50 =	vadd.f32 v16, v15;
	v12 =	vmul.f32 v12, v12;
	v7 =	vsub.f32 v7, v46  }
0x5e: {  	v51 =	vadd.f32 $9.999999930e-09, v48;
	v52 =	vmul.f32 v18, v18;
	v9 =	vadd.f32 v49, v9  }
0x5f: {  	v53 =	vadd.f32 $9.999999930e-09, v17;
	v13 =	vmul.f32 v13, v13;
	v12 =	vadd.f32 v12, v50  }
0x60: {  	v7 =	vadd.f32 $9.999999930e-09, v7;
	v54 =	vmul.f32 v51, v51;
	v9 =	vadd.f32 v52, v9  }
0x61: {  	v12 =	vadd.f32 v13, v12;
	v11 =	vmul.f32 v53, v53  }
0x62: {  	v7 =	vmul.f32 v7, v7;
	v9 =	vadd.f32 v54, v9  }
0x63: {  	v55 =	vadd.f32 v11, v12  }
0x64: {  	v7 =	vadd.f32 v7, v9  }
0x65: {  	v56 =	vperm.xlane v55, v0  }
0x66: {  	v57 =	vperm.xlane v7, v0  }
0x67: {  	v9 =	vadd.f32 v55, v56  }
0x68: {  	v7 =	vadd.f32 v7, v57  }
0x69: {  	v10 =	vperm.xlane v9, v1  }
0x6a: {  	v11 =	vperm.xlane v7, v1  }
0x6b: {  	v9 =	vadd.f32 v9, v10  }
0x6c: {  	v58 =	vperm.xlane v8, v2;
	v7 =	vadd.f32 v7, v11  }
0x6d: {  	v10 =	vperm.xlane v9, v2  }
0x6e: {  	v8 =	vadd.f32 v8, v58;
	v11 =	vperm.xlane v7, v2  }
0x6f: {  	v9 =	vadd.f32 v9, v10  }
0x70: {  	v12 =	vperm.xlane v8, v3;
	v7 =	vadd.f32 v7, v11  }
0x71: {  	v59 =	vmov s19;
	v60 =	vperm.xlane v9, v3  }
0x72: {  	v62 =	vmov s18;
	v8 =	vadd.f32 v8, v12;
	v61 =	vperm.xlane v7, v3  }
0x73: {  	v63 =	vmov s17;
	vm0 =	veq.s32 v59, v4;
	v9 =	vadd.f32 v9, v60  }
0x74: {  	vm14 =	veq.s32 v62, v4;
	v6 =	vsel vm0, v8, v6;
	v7 =	vadd.f32 v7, v61  }
0x75: {  	vm15 =	veq.s32 v63, v4;
	v6 =	vsel vm14, v9, v6  }
0x76: {  	v6 =	vsel vm15, v7, v6  }
0x77: {  	v6 =	vadd.f32 $1.000000000e+00, v6;
	_ =	sdelay $0x1  }
0x78: {  	(erf) = vrcp.f32 v6;
	_ =	sdelay $0x3  }
0x79: {  	s16 =	sadd.s32 $0x1, s16  }
0x7a: {  	p0 =	sne.s32 s16, $0x8  }
.Ltmp1:
0x7b: {  	_ = 	snop;
	(pc) =	sbr.rel @p0 .LBB2_2-.Ltmp1, $3  }
0x7c: {  	_ =	sdelay $0x1  }
0x7d: {  	v6 =	vpop (erf)  }
0x7e: {  	s14 =	sadd.s32 $0x800, s14;
	s15 =	sadd.s32 $0x800, s15;
	v5 =	vadd.f32 v6, v5  }
0x7f: {  	s13 =	sadd.s32 $0x1, s13  }
0x80: {  	p0 =	sne.s32 s13, s7  }
.Ltmp2:
0x81: {  	[tilespmem:$0x8080] =	vst v5;
	(pc) =	sbr.rel @p0 .LBB2_1-.Ltmp2, $4  }
0x82: {  	[hbm4b:s6+s2] =	stream.linear.scatter [tilespmem:s12], [sflag:$0x2], $0x80, $0x38;
	[tilespmem:$0x8100] =	vst v63  }
0x83: {  	_ =	swait.ge [sflag:s8], $0x80  }
0x84: {  	[sflag:s8] =	ssyncset.done $0x0  }
0x85: {  	[sflag:s8] =	ssyncadd.s32 $0xFFFFFF80  }
0x86: {  	_ =	sfence.sel $0x180000  }
0x87: {  	[bflag:$0x0] =	sbarrier.arrive $0xFFFF  }
0x88: {  	p0 =	sne.s32 s1, $0x0;
	_ =	strace $0x90000047  }
0x89: {  	s0 =	sadd.s32 @!p0 $0x100000, s3;
	[bflag:$0x2] =	sbarrier.arrive $0xFFFF  }
0x8a: {  	[sflag:s0] =	ssyncadd.tile.s32 @!p0 $0x1;
	_ =	shalt  }
.Lfunc_end2:
_tile_overlayer_lowered:
.L_overlay_start_2:
0x8b: {  	(tag) =	ssettag $0x2  }
0x8c: {  	s0 =	rddreg [dreg:$0x0];
	s2 =	stileid.u32  }
0x8d: {  	s1 =	rddreg [dreg:$0x1];
	p0 =	sne.s32 s2, $0x0  }
0x8e: {  	s3 =	rddreg [dreg:$0x2];
	[bflag:$0x3] =	sbarrier.arrive $0xFFFF;
	s2 =	simm.s32 @!p0 $0x1C02  }
0x8f: {  	[timem:s3], [sflag:s2] =	dma.local @!p0 [hbm:s0], s1  }
0x90: {  	s0 =	simm.s32 @!p0 $0x2  }
0x91: {  	_ =	swait.ge @!p0 [sflag:s0], s1  }
0x92: {  	s1 =	ssub.s32 @!p0 $0x0, s1;
	[sflag:s0] =	ssyncset.done @!p0 $0x0  }
0x93: {  	[sflag:s0] =	ssyncadd.s32 @!p0 s1  }
0x94: {  	[bflag:$0x3] =	sbarrier.arrive $0xFFFF  }
0x95: {  	_ =	shalt  }

</sc_bundles>
